<compile_context>
chip_gen: v7x
topology: tpu7x:2x2x1
jax: 0.10.2.dev20260603
libtpu: 0.0.44.dev20260713+nightly
codegen_flags: <defaults>
</compile_context>

<pallas_src>
import functools

import jax
import jax.numpy as jnp
from jax import lax
from jax.experimental import pallas as pl
from jax.experimental.pallas import tpu as pltpu
from jax.experimental.pallas import tpu_sc as plsc

OBJ_SCORE_THR = 0.3
INIT_SCORE_THR = 0.7
NMS_BACKDROP_IOU_THR = 0.3
NMS_CLASS_IOU_THR = 0.7

N = 5000
NPAD = 5120
BI = 128
BI1 = 256
DEMB = 256
DMETA = 128
DOUT = 261
CLS_LANE = 5
NEW_LANE = 6
VAL_LANE = 7
NC, NS = 2, 16
NW = NC * NS
RPW = NPAD // NW
NCHUNK = 2
CHUNK = RPW // NCHUNK


def _k1_body(ib_ref, jb_ref, rank_ref, meta_ref):
    pid = pl.program_id(0)
    blk = ib_ref[...]
    x1i, y1i = blk[:, 0:1], blk[:, 1:2]
    x2i, y2i = blk[:, 2:3], blk[:, 3:4]
    si = blk[:, 4:5]
    jb = jb_ref[...]
    x1j, y1j = jb[0:1, :], jb[1:2, :]
    x2j, y2j = jb[2:3, :], jb[3:4, :]
    sj = jb[4:5, :]

    ai = (x2i - x1i) * (y2i - y1i)
    aj = (x2j - x1j) * (y2j - y1j)
    w = jnp.clip(jnp.minimum(x2i, x2j) - jnp.maximum(x1i, x1j), 0.0)
    h = jnp.clip(jnp.minimum(y2i, y2j) - jnp.maximum(y1i, y1j), 0.0)
    inter = w * h
    union = ai + aj - inter
    iou = inter / jnp.maximum(union, 1e-6)

    ii = pid * BI1 + lax.broadcasted_iota(jnp.int32, (BI1, 1), 0)
    jj = lax.broadcasted_iota(jnp.int32, (1, NPAD), 1)
    precede = (sj > si) | ((sj == si) & (jj < ii))
    thr = jnp.where(si < OBJ_SCORE_THR, NMS_BACKDROP_IOU_THR, NMS_CLASS_IOU_THR)
    supp = jnp.any(precede & (iou > thr), axis=1, keepdims=True)
    valid = jnp.logical_not(supp)
    rank_ref[...] = jnp.sum(precede.astype(jnp.int32), axis=1, keepdims=True)
    valid_f = valid.astype(jnp.float32)
    new_f = jnp.where(valid & (si > INIT_SCORE_THR), 1.0, 0.0)
    meta_ref[...] = jnp.concatenate(
        [blk[:, 0:6], new_f, valid_f,
         jnp.zeros((BI1, DMETA - 8), jnp.float32)], axis=1)


def _k1_call(ib, jb):
    grid = NPAD // BI1
    return pl.pallas_call(
        _k1_body,
        grid=(grid,),
        in_specs=[
            pl.BlockSpec((BI1, 8), lambda i: (i, 0)),
            pl.BlockSpec((8, NPAD), lambda i: (0, 0)),
        ],
        out_specs=[
            pl.BlockSpec((BI1, 1), lambda i: (i, 0)),
            pl.BlockSpec((BI1, DMETA), lambda i: (i, 0)),
        ],
        out_shape=[
            jax.ShapeDtypeStruct((NPAD, 1), jnp.int32),
            jax.ShapeDtypeStruct((NPAD, DMETA), jnp.float32),
        ],
        compiler_params=pltpu.CompilerParams(
            dimension_semantics=("arbitrary",)),
    )(ib, jb)


def _sc_body(meta_hbm, emb_hbm, ztail_hbm, rank_hbm, metaout_hbm, embout_hbm,
             idx_v, meta_v, emb_v, sem1, sem2):
    wid = lax.axis_index("s") * NC + lax.axis_index("c")
    base = wid * RPW
    pltpu.sync_copy(rank_hbm.at[wid], idx_v)
    pltpu.sync_copy(meta_hbm.at[pl.ds(base, RPW)], meta_v)

    last = NW - 1
    tail = N - last * RPW

    @pl.when(wid < last)
    def _():
        pltpu.sync_copy(emb_hbm.at[pl.ds(base, RPW)], emb_v)

    @pl.when(wid == last)
    def _():
        pltpu.sync_copy(emb_hbm.at[pl.ds(last * RPW, tail)],
                        emb_v.at[pl.ds(0, tail)])
        pltpu.sync_copy(ztail_hbm, emb_v.at[pl.ds(tail, RPW - tail)])

    copies = []
    for ci in range(NCHUNK):
        idx = idx_v.at[ci]
        copies.append(pltpu.async_copy(
            meta_v.at[pl.ds(ci * CHUNK, CHUNK)], metaout_hbm.at[idx], sem1))
        copies.append(pltpu.async_copy(
            emb_v.at[pl.ds(ci * CHUNK, CHUNK)], embout_hbm.at[idx], sem2))
    for cp in copies:
        cp.wait()


@functools.cache
def _sc_scatter():
    return pl.kernel(
        _sc_body,
        out_type=(
            jax.ShapeDtypeStruct((NPAD, DMETA), jnp.float32),
            jax.ShapeDtypeStruct((NPAD, DEMB), jnp.float32),
        ),
        mesh=plsc.VectorSubcoreMesh(core_axis_name="c", subcore_axis_name="s",
                                    num_cores=NC, num_subcores=NS),
        scratch_types=[
            pltpu.VMEM((NCHUNK, CHUNK), jnp.int32),
            pltpu.VMEM((RPW, DMETA), jnp.float32),
            pltpu.VMEM((RPW, DEMB), jnp.float32),
            pltpu.SemaphoreType.DMA,
            pltpu.SemaphoreType.DMA,
        ],
    )


def _k3_body(meta_ref, emb_ref, out_ref, misc_ref, carry_ref):
    pid = pl.program_id(0)

    @pl.when(pid == 0)
    def _():
        carry_ref[...] = jnp.zeros((1, 1), jnp.float32)

    meta = meta_ref[...]
    emb = emb_ref[...]
    vmask = meta[:, VAL_LANE:VAL_LANE + 1]
    newf = meta[:, NEW_LANE:NEW_LANE + 1]
    r = lax.broadcasted_iota(jnp.int32, (BI, BI), 0)
    c = lax.broadcasted_iota(jnp.int32, (BI, BI), 1)
    tril = (r >= c).astype(jnp.float32)
    cs = jnp.dot(tril, newf, preferred_element_type=jnp.float32)
    carry = carry_ref[...]
    ids = jnp.where(newf > 0.5, (carry + cs - 1.0).astype(jnp.int32), -1)
    carry_ref[...] = carry + cs[BI - 1:BI, :]

    out_ref[...] = jnp.concatenate([meta[:, 0:5] * vmask, emb * vmask], axis=1)
    cls_i = meta[:, CLS_LANE:CLS_LANE + 1].astype(jnp.int32)
    misc_ref[...] = jnp.concatenate(
        [ids, cls_i, jnp.zeros((BI, 6), jnp.int32)], axis=1)


def _k3_call(metaout, embout):
    grid = NPAD // BI
    return pl.pallas_call(
        _k3_body,
        grid=(grid,),
        in_specs=[
            pl.BlockSpec((BI, DMETA), lambda i: (i, 0)),
            pl.BlockSpec((BI, DEMB), lambda i: (i, 0)),
        ],
        out_specs=[
            pl.BlockSpec((BI, DOUT), lambda i: (i, 0)),
            pl.BlockSpec((BI, 8), lambda i: (i, 0)),
        ],
        out_shape=[
            jax.ShapeDtypeStruct((N, DOUT), jnp.float32),
            jax.ShapeDtypeStruct((N, 8), jnp.int32),
        ],
        scratch_shapes=[pltpu.VMEM((1, 1), jnp.float32)],
        compiler_params=pltpu.CompilerParams(
            dimension_semantics=("arbitrary",)),
    )(metaout, embout)


def kernel(detections, detection_scores, detection_class_ids, embeddings,
           frame_id):
    del frame_id
    pad = NPAD - N
    boxes_p = jnp.pad(detections, ((0, pad), (0, 0)))
    scores_p = jnp.pad(detection_scores, (0, pad), constant_values=-jnp.inf)
    cls_p = jnp.pad(detection_class_ids.astype(jnp.float32), (0, pad))

    ib = jnp.concatenate(
        [boxes_p, scores_p[:, None], cls_p[:, None],
         jnp.zeros((NPAD, 2), jnp.float32)], axis=1)
    jb = jnp.concatenate(
        [boxes_p.T, scores_p[None, :], jnp.zeros((3, NPAD), jnp.float32)],
        axis=0)

    rank2d, meta = _k1_call(ib, jb)

    rank_w = rank2d.reshape(NW, NCHUNK, CHUNK)
    ztail = jnp.zeros((RPW - (N - (NW - 1) * RPW), DEMB), jnp.float32)

    metaout, embout = _sc_scatter()(meta, embeddings, ztail, rank_w)

    out, misc = _k3_call(metaout, embout)
    return out, misc[:, 0], misc[:, 1]

# --- scband reference (transcript-rebuilt; emitter-appended) ---
"""Pipeline reference for scband-qdtrack-graph-26388279067057 (READ-ONLY COPY).

The authoritative reference and input builder live on the scoring server;
editing this copy changes nothing except your own understanding.
"""

import jax, jax.numpy as jnp
import numpy as np

OBJ_SCORE_THR = 0.3
INIT_SCORE_THR = 0.7
NMS_BACKDROP_IOU_THR = 0.3
NMS_CLASS_IOU_THR = 0.7


def bbox_iou(b1, b2):
    area1 = (b1[:, 2] - b1[:, 0]) * (b1[:, 3] - b1[:, 1])
    area2 = (b2[:, 2] - b2[:, 0]) * (b2[:, 3] - b2[:, 1])
    lt = jnp.maximum(b1[:, None, :2], b2[None, :, :2])
    rb = jnp.minimum(b1[:, None, 2:], b2[None, :, 2:])
    wh = jnp.clip(rb - lt, 0.0)
    inter = wh[..., 0] * wh[..., 1]
    union = area1[:, None] + area2[None, :] - inter
    return inter / jnp.maximum(union, 1e-6)


def setup_inputs(seed: int = 0) -> dict:
    key = jax.random.key(seed)
    k1, k2, k3, k4, k5 = jax.random.split(key, 5)
    N = 5000
    xy = jax.random.uniform(k1, (N, 2), dtype=jnp.float32) * 1000.0
    wh = jax.random.uniform(k2, (N, 2), dtype=jnp.float32) * 100.0 + 1.0
    detections = jnp.concatenate([xy, xy + wh], axis=1)
    detection_scores = jax.random.uniform(k3, (N,), dtype=jnp.float32)
    embeddings = jax.random.normal(k4, (N, 256), dtype=jnp.float32)
    detection_class_ids = jax.random.randint(k5, (N,), 0, 80, dtype=jnp.int64)
    return {
        "detections": detections,
        "detection_scores": detection_scores,
        "detection_class_ids": detection_class_ids,
        "embeddings": embeddings,
        "frame_id": 0,
    }


def reference(detections, detection_scores, detection_class_ids, embeddings, frame_id):
    # frame_id == 0 -> reset(): track memory and backdrops are empty, so the
    # detection/track matching branch is skipped. The well-defined computation
    # is remove_duplicates() (sort + all-pairs IoU + sequential cross-class NMS)
    # followed by new-track id assignment.
    order = jnp.argsort(-detection_scores)
    scores = detection_scores[order]
    boxes = detections[order]
    embs = embeddings[order]
    cls = detection_class_ids[order]
    N = boxes.shape[0]
    ious = bbox_iou(boxes, boxes)
    # per-row threshold: low-score detections use the backdrop IoU threshold
    thr = jnp.where(scores < OBJ_SCORE_THR, NMS_BACKDROP_IOU_THR, NMS_CLASS_IOU_THR)
    # original loop: valids[i] = 0 if any(ious[i, :i] > thr_i)
    # (predecessors are NOT masked by their own validity -> fully vectorizable)
    tri = jnp.tril(jnp.ones((N, N), dtype=bool), k=-1)
    suppressed = jnp.any((ious > thr[:, None]) & tri, axis=1)
    valids = jnp.logical_not(suppressed)
    # ids: -1 everywhere; new tracks for valid, high-score detections
    new_inds = valids & (scores > INIT_SCORE_THR)
    ids = jnp.where(new_inds, jnp.cumsum(new_inds.astype(jnp.int64)) - 1, -1)
    vf = valids.astype(boxes.dtype)
    boxes_out = boxes * vf[:, None]
    scores_out = scores * vf
    emb_out = embs * vf[:, None]
    out = jnp.concatenate([boxes_out, scores_out[:, None], emb_out], axis=1)
    return out, ids, cls

if __name__ == "__main__":
    import jax
    _d = setup_inputs()
    print(jax.jit(kernel)(*tuple(_d.values())))

</pallas_src>

<mosaic_0001>
#map = affine_map<(d0, d1) -> (0, 0)>
#map1 = affine_map<(d0, d1) -> (0, 0, 0)>
module attributes {stable_mosaic.version = 14 : i64} {
  func.func @_sc_body(%arg0: i32, %arg1: i32, %arg2: memref<5120x128xf32, #tpu.memory_space<hbm>>, %arg3: memref<5000x256xf32, #tpu.memory_space<hbm>>, %arg4: memref<120x256xf32, #tpu.memory_space<hbm>>, %arg5: memref<32x2x80xi32, #tpu.memory_space<hbm>>, %arg6: memref<5120x128xf32, #tpu.memory_space<hbm>>, %arg7: memref<5120x256xf32, #tpu.memory_space<hbm>>, %arg8: memref<2x80xi32, #tpu.memory_space<vmem>>, %arg9: memref<160x128xf32, #tpu.memory_space<vmem>>, %arg10: memref<160x256xf32, #tpu.memory_space<vmem>>, %arg11: memref<!tpu.dma_semaphore, #tpu.memory_space<semaphore_mem>>, %arg12: memref<!tpu.dma_semaphore, #tpu.memory_space<semaphore_mem>>) attributes {dimension_semantics = [#tpu.dimension_semantics<core_parallel>, #tpu.dimension_semantics<subcore_parallel>], iteration_bounds = array<i64: 2, 16>, scalar_prefetch = 0 : i64, scratch_operands = 5 : i64, tpu.core_type = #tpu.core_type<sc_vector_subcore>, window_params = [{transform_indices = #map}, {transform_indices = #map}, {transform_indices = #map}, {transform_indices = #map1}, {transform_indices = #map}, {transform_indices = #map}]} {
    %mul3A = arith.constant 2 : i32
    %mul3A_0 = arith.muli %arg1, %mul3A : i32
    %add3A = arith.addi %mul3A_0, %arg0 : i32
    %mul3A_1 = arith.constant 160 : i32
    %mul3A_2 = arith.muli %add3A, %mul3A_1 : i32
    "tpu.region"() ({
      %run_scoped3A = tpu.sem_alloc : memref<!tpu.dma_semaphore, #tpu.memory_space<semaphore_mem>>
      %dma_start3A_87 = arith.constant 0 : i32
      %dma_start3A_88 = arith.constant 0 : i32
      %dma_start3A_89 = tpu.memref_slice %arg5[%add3A, %dma_start3A_87, %dma_start3A_88] : memref<32x2x80xi32, #tpu.memory_space<hbm>> -> memref<1x2x80xi32, #tpu.memory_space<hbm>>
      %dma_start3A_90 = tpu.memref_squeeze %dma_start3A_89 : memref<1x2x80xi32, #tpu.memory_space<hbm>> -> memref<2x80xi32, #tpu.memory_space<hbm>>
      %dma_start3A_91 = arith.constant 0 : i32
      %dma_start3A_92 = arith.constant 0 : i32
      %dma_start3A_93 = tpu.memref_slice %arg5[%add3A, %dma_start3A_91, %dma_start3A_92] : memref<32x2x80xi32, #tpu.memory_space<hbm>> -> memref<1x2x80xi32, #tpu.memory_space<hbm>>
      %dma_start3A_94 = tpu.memref_squeeze %dma_start3A_93 : memref<1x2x80xi32, #tpu.memory_space<hbm>> -> memref<2x80xi32, #tpu.memory_space<hbm>>
      tpu.enqueue_dma source(%dma_start3A_94 : memref<2x80xi32, #tpu.memory_space<hbm>>) target(%arg8 : memref<2x80xi32, #tpu.memory_space<vmem>>) target_semaphore(%run_scoped3A : memref<!tpu.dma_semaphore, #tpu.memory_space<semaphore_mem>>)
      %dma_wait3A_95 = arith.constant 0 : i32
      %dma_wait3A_96 = arith.constant 0 : i32
      %dma_wait3A_97 = tpu.memref_slice %arg5[%add3A, %dma_wait3A_95, %dma_wait3A_96] : memref<32x2x80xi32, #tpu.memory_space<hbm>> -> memref<1x2x80xi32, #tpu.memory_space<hbm>>
      %dma_wait3A_98 = tpu.memref_squeeze %dma_wait3A_97 : memref<1x2x80xi32, #tpu.memory_space<hbm>> -> memref<2x80xi32, #tpu.memory_space<hbm>>
      %dma_wait3A_99 = arith.constant 0 : i32
      %dma_wait3A_100 = arith.constant 0 : i32
      %dma_wait3A_101 = tpu.memref_slice %arg5[%add3A, %dma_wait3A_99, %dma_wait3A_100] : memref<32x2x80xi32, #tpu.memory_space<hbm>> -> memref<1x2x80xi32, #tpu.memory_space<hbm>>
      %dma_wait3A_102 = tpu.memref_squeeze %dma_wait3A_101 : memref<1x2x80xi32, #tpu.memory_space<hbm>> -> memref<2x80xi32, #tpu.memory_space<hbm>>
      tpu.wait_dma2 semaphore(%run_scoped3A : memref<!tpu.dma_semaphore, #tpu.memory_space<semaphore_mem>>) src(%dma_wait3A_102 : memref<2x80xi32, #tpu.memory_space<hbm>>) dst(%arg8 : memref<2x80xi32, #tpu.memory_space<vmem>>)
      tpu.yield
    }) : () -> ()
    "tpu.region"() ({
      %run_scoped3A = tpu.sem_alloc : memref<!tpu.dma_semaphore, #tpu.memory_space<semaphore_mem>>
      %dma_start3A_87 = arith.constant 0 : i32
      %dma_start3A_88 = tpu.memref_slice %arg2[%mul3A_2, %dma_start3A_87] : memref<5120x128xf32, #tpu.memory_space<hbm>> -> memref<160x128xf32, #tpu.memory_space<hbm>>
      %dma_start3A_89 = arith.constant 0 : i32
      %dma_start3A_90 = tpu.memref_slice %arg2[%mul3A_2, %dma_start3A_89] : memref<5120x128xf32, #tpu.memory_space<hbm>> -> memref<160x128xf32, #tpu.memory_space<hbm>>
      tpu.enqueue_dma source(%dma_start3A_90 : memref<160x128xf32, #tpu.memory_space<hbm>>) target(%arg9 : memref<160x128xf32, #tpu.memory_space<vmem>>) target_semaphore(%run_scoped3A : memref<!tpu.dma_semaphore, #tpu.memory_space<semaphore_mem>>)
      %dma_wait3A_91 = arith.constant 0 : i32
      %dma_wait3A_92 = tpu.memref_slice %arg2[%mul3A_2, %dma_wait3A_91] : memref<5120x128xf32, #tpu.memory_space<hbm>> -> memref<160x128xf32, #tpu.memory_space<hbm>>
      %dma_wait3A_93 = arith.constant 0 : i32
      %dma_wait3A_94 = tpu.memref_slice %arg2[%mul3A_2, %dma_wait3A_93] : memref<5120x128xf32, #tpu.memory_space<hbm>> -> memref<160x128xf32, #tpu.memory_space<hbm>>
      tpu.wait_dma2 semaphore(%run_scoped3A : memref<!tpu.dma_semaphore, #tpu.memory_space<semaphore_mem>>) src(%dma_wait3A_94 : memref<160x128xf32, #tpu.memory_space<hbm>>) dst(%arg9 : memref<160x128xf32, #tpu.memory_space<vmem>>)
      tpu.yield
    }) : () -> ()
    %lt3A = arith.constant 31 : i32
    %lt3A_3 = arith.cmpi slt, %add3A, %lt3A : i32
    %convert_element_type3A = arith.extui %lt3A_3 : i1 to i32
    %cond3A = arith.constant 0 : i32
    %cond3A_4 = arith.cmpi ne, %convert_element_type3A, %cond3A : i32
    scf.if %cond3A_4 {
      "tpu.region"() ({
        %run_scoped3A = tpu.sem_alloc : memref<!tpu.dma_semaphore, #tpu.memory_space<semaphore_mem>>
        %dma_start3A_87 = arith.constant 0 : i32
        %dma_start3A_88 = tpu.memref_slice %arg3[%mul3A_2, %dma_start3A_87] : memref<5000x256xf32, #tpu.memory_space<hbm>> -> memref<160x256xf32, #tpu.memory_space<hbm>>
        %dma_start3A_89 = arith.constant 0 : i32
        %dma_start3A_90 = tpu.memref_slice %arg3[%mul3A_2, %dma_start3A_89] : memref<5000x256xf32, #tpu.memory_space<hbm>> -> memref<160x256xf32, #tpu.memory_space<hbm>>
        tpu.enqueue_dma source(%dma_start3A_90 : memref<160x256xf32, #tpu.memory_space<hbm>>) target(%arg10 : memref<160x256xf32, #tpu.memory_space<vmem>>) target_semaphore(%run_scoped3A : memref<!tpu.dma_semaphore, #tpu.memory_space<semaphore_mem>>)
        %dma_wait3A_91 = arith.constant 0 : i32
        %dma_wait3A_92 = tpu.memref_slice %arg3[%mul3A_2, %dma_wait3A_91] : memref<5000x256xf32, #tpu.memory_space<hbm>> -> memref<160x256xf32, #tpu.memory_space<hbm>>
        %dma_wait3A_93 = arith.constant 0 : i32
        %dma_wait3A_94 = tpu.memref_slice %arg3[%mul3A_2, %dma_wait3A_93] : memref<5000x256xf32, #tpu.memory_space<hbm>> -> memref<160x256xf32, #tpu.memory_space<hbm>>
        tpu.wait_dma2 semaphore(%run_scoped3A : memref<!tpu.dma_semaphore, #tpu.memory_space<semaphore_mem>>) src(%dma_wait3A_94 : memref<160x256xf32, #tpu.memory_space<hbm>>) dst(%arg10 : memref<160x256xf32, #tpu.memory_space<vmem>>)
        tpu.yield
      }) : () -> ()
    } else {
    }
    %eq3A = arith.constant 31 : i32
    %eq3A_5 = arith.cmpi eq, %add3A, %eq3A : i32
    %convert_element_type3A_6 = arith.extui %eq3A_5 : i1 to i32
    %cond3A_7 = arith.constant 0 : i32
    %cond3A_8 = arith.cmpi ne, %convert_element_type3A_6, %cond3A_7 : i32
    scf.if %cond3A_8 {
      "tpu.region"() ({
        %run_scoped3A = tpu.sem_alloc : memref<!tpu.dma_semaphore, #tpu.memory_space<semaphore_mem>>
        %dma_start3A_87 = arith.constant 0 : i32
        %dma_start3A_88 = arith.constant 0 : i32
        %dma_start3A_89 = tpu.memref_slice %arg10[%dma_start3A_87, %dma_start3A_88] : memref<160x256xf32, #tpu.memory_space<vmem>> -> memref<40x256xf32, #tpu.memory_space<vmem>>
        %dma_start3A_90 = arith.constant 4960 : i32
        %dma_start3A_91 = arith.constant 0 : i32
        %dma_start3A_92 = tpu.memref_slice %arg3[%dma_start3A_90, %dma_start3A_91] : memref<5000x256xf32, #tpu.memory_space<hbm>> -> memref<40x256xf32, #tpu.memory_space<hbm>>
        %dma_start3A_93 = arith.constant 0 : i32
        %dma_start3A_94 = arith.constant 0 : i32
        %dma_start3A_95 = tpu.memref_slice %arg10[%dma_start3A_93, %dma_start3A_94] : memref<160x256xf32, #tpu.memory_space<vmem>> -> memref<40x256xf32, #tpu.memory_space<vmem>>
        %dma_start3A_96 = arith.constant 4960 : i32
        %dma_start3A_97 = arith.constant 0 : i32
        %dma_start3A_98 = tpu.memref_slice %arg3[%dma_start3A_96, %dma_start3A_97] : memref<5000x256xf32, #tpu.memory_space<hbm>> -> memref<40x256xf32, #tpu.memory_space<hbm>>
        tpu.enqueue_dma source(%dma_start3A_98 : memref<40x256xf32, #tpu.memory_space<hbm>>) target(%dma_start3A_95 : memref<40x256xf32, #tpu.memory_space<vmem>>) target_semaphore(%run_scoped3A : memref<!tpu.dma_semaphore, #tpu.memory_space<semaphore_mem>>)
        %dma_wait3A_99 = arith.constant 0 : i32
        %dma_wait3A_100 = arith.constant 0 : i32
        %dma_wait3A_101 = tpu.memref_slice %arg10[%dma_wait3A_99, %dma_wait3A_100] : memref<160x256xf32, #tpu.memory_space<vmem>> -> memref<40x256xf32, #tpu.memory_space<vmem>>
        %dma_wait3A_102 = arith.constant 4960 : i32
        %dma_wait3A_103 = arith.constant 0 : i32
        %dma_wait3A_104 = tpu.memref_slice %arg3[%dma_wait3A_102, %dma_wait3A_103] : memref<5000x256xf32, #tpu.memory_space<hbm>> -> memref<40x256xf32, #tpu.memory_space<hbm>>
        %dma_wait3A_105 = arith.constant 0 : i32
        %dma_wait3A_106 = arith.constant 0 : i32
        %dma_wait3A_107 = tpu.memref_slice %arg10[%dma_wait3A_105, %dma_wait3A_106] : memref<160x256xf32, #tpu.memory_space<vmem>> -> memref<40x256xf32, #tpu.memory_space<vmem>>
        %dma_wait3A_108 = arith.constant 4960 : i32
        %dma_wait3A_109 = arith.constant 0 : i32
        %dma_wait3A_110 = tpu.memref_slice %arg3[%dma_wait3A_108, %dma_wait3A_109] : memref<5000x256xf32, #tpu.memory_space<hbm>> -> memref<40x256xf32, #tpu.memory_space<hbm>>
        tpu.wait_dma2 semaphore(%run_scoped3A : memref<!tpu.dma_semaphore, #tpu.memory_space<semaphore_mem>>) src(%dma_wait3A_110 : memref<40x256xf32, #tpu.memory_space<hbm>>) dst(%dma_wait3A_107 : memref<40x256xf32, #tpu.memory_space<vmem>>)
        tpu.yield
      }) : () -> ()
      "tpu.region"() ({
        %run_scoped3A = tpu.sem_alloc : memref<!tpu.dma_semaphore, #tpu.memory_space<semaphore_mem>>
        %dma_start3A_87 = arith.constant 40 : i32
        %dma_start3A_88 = arith.constant 0 : i32
        %dma_start3A_89 = tpu.memref_slice %arg10[%dma_start3A_87, %dma_start3A_88] : memref<160x256xf32, #tpu.memory_space<vmem>> -> memref<120x256xf32, #tpu.memory_space<vmem>>
        %dma_start3A_90 = arith.constant 40 : i32
        %dma_start3A_91 = arith.constant 0 : i32
        %dma_start3A_92 = tpu.memref_slice %arg10[%dma_start3A_90, %dma_start3A_91] : memref<160x256xf32, #tpu.memory_space<vmem>> -> memref<120x256xf32, #tpu.memory_space<vmem>>
        tpu.enqueue_dma source(%arg4 : memref<120x256xf32, #tpu.memory_space<hbm>>) target(%dma_start3A_92 : memref<120x256xf32, #tpu.memory_space<vmem>>) target_semaphore(%run_scoped3A : memref<!tpu.dma_semaphore, #tpu.memory_space<semaphore_mem>>)
        %dma_wait3A_93 = arith.constant 40 : i32
        %dma_wait3A_94 = arith.constant 0 : i32
        %dma_wait3A_95 = tpu.memref_slice %arg10[%dma_wait3A_93, %dma_wait3A_94] : memref<160x256xf32, #tpu.memory_space<vmem>> -> memref<120x256xf32, #tpu.memory_space<vmem>>
        %dma_wait3A_96 = arith.constant 40 : i32
        %dma_wait3A_97 = arith.constant 0 : i32
        %dma_wait3A_98 = tpu.memref_slice %arg10[%dma_wait3A_96, %dma_wait3A_97] : memref<160x256xf32, #tpu.memory_space<vmem>> -> memref<120x256xf32, #tpu.memory_space<vmem>>
        tpu.wait_dma2 semaphore(%run_scoped3A : memref<!tpu.dma_semaphore, #tpu.memory_space<semaphore_mem>>) src(%arg4 : memref<120x256xf32, #tpu.memory_space<hbm>>) dst(%dma_wait3A_98 : memref<120x256xf32, #tpu.memory_space<vmem>>)
        tpu.yield
      }) : () -> ()
    } else {
    }
    %dma_start3A = arith.constant 0 : i32
    %dma_start3A_9 = arith.constant 0 : i32
    %dma_start3A_10 = arith.constant 0 : i32
    %dma_start3A_11 = tpu.memref_slice %arg9[%dma_start3A_9, %dma_start3A_10] : memref<160x128xf32, #tpu.memory_space<vmem>> -> memref<80x128xf32, #tpu.memory_space<vmem>>
    %dma_start3A_12 = arith.constant 0 : i32
    %dma_start3A_13 = tpu.memref_slice %arg8[%dma_start3A, %dma_start3A_12] : memref<2x80xi32, #tpu.memory_space<vmem>> -> memref<1x80xi32, #tpu.memory_space<vmem>>
    %dma_start3A_14 = tpu.memref_squeeze %dma_start3A_13 : memref<1x80xi32, #tpu.memory_space<vmem>> -> memref<80xi32, #tpu.memory_space<vmem>>
    %dma_start3A_15 = arith.constant 0 : i32
    %dma_start3A_16 = arith.constant 0 : i32
    %dma_start3A_17 = tpu.memref_slice %arg6[%dma_start3A_15, %dma_start3A_16] : memref<5120x128xf32, #tpu.memory_space<hbm>> -> memref<5120x128xf32, #tpu.memory_space<hbm>>
    tpu.enqueue_indirect_dma source(%dma_start3A_11 : memref<80x128xf32, #tpu.memory_space<vmem>>) target(%dma_start3A_17 : memref<5120x128xf32, #tpu.memory_space<hbm>>) offsets(%dma_start3A_14 : memref<80xi32, #tpu.memory_space<vmem>>) semaphore(%arg11 : memref<!tpu.dma_semaphore, #tpu.memory_space<semaphore_mem>>)
    %dma_start3A_18 = arith.constant 0 : i32
    %dma_start3A_19 = arith.constant 0 : i32
    %dma_start3A_20 = arith.constant 0 : i32
    %dma_start3A_21 = tpu.memref_slice %arg10[%dma_start3A_19, %dma_start3A_20] : memref<160x256xf32, #tpu.memory_space<vmem>> -> memref<80x256xf32, #tpu.memory_space<vmem>>
    %dma_start3A_22 = arith.constant 0 : i32
    %dma_start3A_23 = tpu.memref_slice %arg8[%dma_start3A_18, %dma_start3A_22] : memref<2x80xi32, #tpu.memory_space<vmem>> -> memref<1x80xi32, #tpu.memory_space<vmem>>
    %dma_start3A_24 = tpu.memref_squeeze %dma_start3A_23 : memref<1x80xi32, #tpu.memory_space<vmem>> -> memref<80xi32, #tpu.memory_space<vmem>>
    %dma_start3A_25 = arith.constant 0 : i32
    %dma_start3A_26 = arith.constant 0 : i32
    %dma_start3A_27 = tpu.memref_slice %arg7[%dma_start3A_25, %dma_start3A_26] : memref<5120x256xf32, #tpu.memory_space<hbm>> -> memref<5120x256xf32, #tpu.memory_space<hbm>>
    tpu.enqueue_indirect_dma source(%dma_start3A_21 : memref<80x256xf32, #tpu.memory_space<vmem>>) target(%dma_start3A_27 : memref<5120x256xf32, #tpu.memory_space<hbm>>) offsets(%dma_start3A_24 : memref<80xi32, #tpu.memory_space<vmem>>) semaphore(%arg12 : memref<!tpu.dma_semaphore, #tpu.memory_space<semaphore_mem>>)
    %dma_start3A_28 = arith.constant 1 : i32
    %dma_start3A_29 = arith.constant 80 : i32
    %dma_start3A_30 = arith.constant 0 : i32
    %dma_start3A_31 = tpu.memref_slice %arg9[%dma_start3A_29, %dma_start3A_30] : memref<160x128xf32, #tpu.memory_space<vmem>> -> memref<80x128xf32, #tpu.memory_space<vmem>>
    %dma_start3A_32 = arith.constant 0 : i32
    %dma_start3A_33 = tpu.memref_slice %arg8[%dma_start3A_28, %dma_start3A_32] : memref<2x80xi32, #tpu.memory_space<vmem>> -> memref<1x80xi32, #tpu.memory_space<vmem>>
    %dma_start3A_34 = tpu.memref_squeeze %dma_start3A_33 : memref<1x80xi32, #tpu.memory_space<vmem>> -> memref<80xi32, #tpu.memory_space<vmem>>
    %dma_start3A_35 = arith.constant 0 : i32
    %dma_start3A_36 = arith.constant 0 : i32
    %dma_start3A_37 = tpu.memref_slice %arg6[%dma_start3A_35, %dma_start3A_36] : memref<5120x128xf32, #tpu.memory_space<hbm>> -> memref<5120x128xf32, #tpu.memory_space<hbm>>
    tpu.enqueue_indirect_dma source(%dma_start3A_31 : memref<80x128xf32, #tpu.memory_space<vmem>>) target(%dma_start3A_37 : memref<5120x128xf32, #tpu.memory_space<hbm>>) offsets(%dma_start3A_34 : memref<80xi32, #tpu.memory_space<vmem>>) semaphore(%arg11 : memref<!tpu.dma_semaphore, #tpu.memory_space<semaphore_mem>>)
    %dma_start3A_38 = arith.constant 1 : i32
    %dma_start3A_39 = arith.constant 80 : i32
    %dma_start3A_40 = arith.constant 0 : i32
    %dma_start3A_41 = tpu.memref_slice %arg10[%dma_start3A_39, %dma_start3A_40] : memref<160x256xf32, #tpu.memory_space<vmem>> -> memref<80x256xf32, #tpu.memory_space<vmem>>
    %dma_start3A_42 = arith.constant 0 : i32
    %dma_start3A_43 = tpu.memref_slice %arg8[%dma_start3A_38, %dma_start3A_42] : memref<2x80xi32, #tpu.memory_space<vmem>> -> memref<1x80xi32, #tpu.memory_space<vmem>>
    %dma_start3A_44 = tpu.memref_squeeze %dma_start3A_43 : memref<1x80xi32, #tpu.memory_space<vmem>> -> memref<80xi32, #tpu.memory_space<vmem>>
    %dma_start3A_45 = arith.constant 0 : i32
    %dma_start3A_46 = arith.constant 0 : i32
    %dma_start3A_47 = tpu.memref_slice %arg7[%dma_start3A_45, %dma_start3A_46] : memref<5120x256xf32, #tpu.memory_space<hbm>> -> memref<5120x256xf32, #tpu.memory_space<hbm>>
    tpu.enqueue_indirect_dma source(%dma_start3A_41 : memref<80x256xf32, #tpu.memory_space<vmem>>) target(%dma_start3A_47 : memref<5120x256xf32, #tpu.memory_space<hbm>>) offsets(%dma_start3A_44 : memref<80xi32, #tpu.memory_space<vmem>>) semaphore(%arg12 : memref<!tpu.dma_semaphore, #tpu.memory_space<semaphore_mem>>)
    %dma_wait3A = arith.constant 0 : i32
    %dma_wait3A_48 = arith.constant 0 : i32
    %dma_wait3A_49 = arith.constant 0 : i32
    %dma_wait3A_50 = tpu.memref_slice %arg9[%dma_wait3A_48, %dma_wait3A_49] : memref<160x128xf32, #tpu.memory_space<vmem>> -> memref<80x128xf32, #tpu.memory_space<vmem>>
    %dma_wait3A_51 = arith.constant 0 : i32
    %dma_wait3A_52 = tpu.memref_slice %arg8[%dma_wait3A, %dma_wait3A_51] : memref<2x80xi32, #tpu.memory_space<vmem>> -> memref<1x80xi32, #tpu.memory_space<vmem>>
    %dma_wait3A_53 = tpu.memref_squeeze %dma_wait3A_52 : memref<1x80xi32, #tpu.memory_space<vmem>> -> memref<80xi32, #tpu.memory_space<vmem>>
    %dma_wait3A_54 = arith.constant 0 : i32
    %dma_wait3A_55 = arith.constant 0 : i32
    %dma_wait3A_56 = tpu.memref_slice %arg6[%dma_wait3A_54, %dma_wait3A_55] : memref<5120x128xf32, #tpu.memory_space<hbm>> -> memref<5120x128xf32, #tpu.memory_space<hbm>>
    tpu.wait_indirect_dma semaphore(%arg11 : memref<!tpu.dma_semaphore, #tpu.memory_space<semaphore_mem>>) src(%dma_wait3A_50 : memref<80x128xf32, #tpu.memory_space<vmem>>) dst(%dma_wait3A_56 : memref<5120x128xf32, #tpu.memory_space<hbm>>)
    %dma_wait3A_57 = arith.constant 0 : i32
    %dma_wait3A_58 = arith.constant 0 : i32
    %dma_wait3A_59 = arith.constant 0 : i32
    %dma_wait3A_60 = tpu.memref_slice %arg10[%dma_wait3A_58, %dma_wait3A_59] : memref<160x256xf32, #tpu.memory_space<vmem>> -> memref<80x256xf32, #tpu.memory_space<vmem>>
    %dma_wait3A_61 = arith.constant 0 : i32
    %dma_wait3A_62 = tpu.memref_slice %arg8[%dma_wait3A_57, %dma_wait3A_61] : memref<2x80xi32, #tpu.memory_space<vmem>> -> memref<1x80xi32, #tpu.memory_space<vmem>>
    %dma_wait3A_63 = tpu.memref_squeeze %dma_wait3A_62 : memref<1x80xi32, #tpu.memory_space<vmem>> -> memref<80xi32, #tpu.memory_space<vmem>>
    %dma_wait3A_64 = arith.constant 0 : i32
    %dma_wait3A_65 = arith.constant 0 : i32
    %dma_wait3A_66 = tpu.memref_slice %arg7[%dma_wait3A_64, %dma_wait3A_65] : memref<5120x256xf32, #tpu.memory_space<hbm>> -> memref<5120x256xf32, #tpu.memory_space<hbm>>
    tpu.wait_indirect_dma semaphore(%arg12 : memref<!tpu.dma_semaphore, #tpu.memory_space<semaphore_mem>>) src(%dma_wait3A_60 : memref<80x256xf32, #tpu.memory_space<vmem>>) dst(%dma_wait3A_66 : memref<5120x256xf32, #tpu.memory_space<hbm>>)
    %dma_wait3A_67 = arith.constant 1 : i32
    %dma_wait3A_68 = arith.constant 80 : i32
    %dma_wait3A_69 = arith.constant 0 : i32
    %dma_wait3A_70 = tpu.memref_slice %arg9[%dma_wait3A_68, %dma_wait3A_69] : memref<160x128xf32, #tpu.memory_space<vmem>> -> memref<80x128xf32, #tpu.memory_space<vmem>>
    %dma_wait3A_71 = arith.constant 0 : i32
    %dma_wait3A_72 = tpu.memref_slice %arg8[%dma_wait3A_67, %dma_wait3A_71] : memref<2x80xi32, #tpu.memory_space<vmem>> -> memref<1x80xi32, #tpu.memory_space<vmem>>
    %dma_wait3A_73 = tpu.memref_squeeze %dma_wait3A_72 : memref<1x80xi32, #tpu.memory_space<vmem>> -> memref<80xi32, #tpu.memory_space<vmem>>
    %dma_wait3A_74 = arith.constant 0 : i32
    %dma_wait3A_75 = arith.constant 0 : i32
    %dma_wait3A_76 = tpu.memref_slice %arg6[%dma_wait3A_74, %dma_wait3A_75] : memref<5120x128xf32, #tpu.memory_space<hbm>> -> memref<5120x128xf32, #tpu.memory_space<hbm>>
    tpu.wait_indirect_dma semaphore(%arg11 : memref<!tpu.dma_semaphore, #tpu.memory_space<semaphore_mem>>) src(%dma_wait3A_70 : memref<80x128xf32, #tpu.memory_space<vmem>>) dst(%dma_wait3A_76 : memref<5120x128xf32, #tpu.memory_space<hbm>>)
    %dma_wait3A_77 = arith.constant 1 : i32
    %dma_wait3A_78 = arith.constant 80 : i32
    %dma_wait3A_79 = arith.constant 0 : i32
    %dma_wait3A_80 = tpu.memref_slice %arg10[%dma_wait3A_78, %dma_wait3A_79] : memref<160x256xf32, #tpu.memory_space<vmem>> -> memref<80x256xf32, #tpu.memory_space<vmem>>
    %dma_wait3A_81 = arith.constant 0 : i32
    %dma_wait3A_82 = tpu.memref_slice %arg8[%dma_wait3A_77, %dma_wait3A_81] : memref<2x80xi32, #tpu.memory_space<vmem>> -> memref<1x80xi32, #tpu.memory_space<vmem>>
    %dma_wait3A_83 = tpu.memref_squeeze %dma_wait3A_82 : memref<1x80xi32, #tpu.memory_space<vmem>> -> memref<80xi32, #tpu.memory_space<vmem>>
    %dma_wait3A_84 = arith.constant 0 : i32
    %dma_wait3A_85 = arith.constant 0 : i32
    %dma_wait3A_86 = tpu.memref_slice %arg7[%dma_wait3A_84, %dma_wait3A_85] : memref<5120x256xf32, #tpu.memory_space<hbm>> -> memref<5120x256xf32, #tpu.memory_space<hbm>>
    tpu.wait_indirect_dma semaphore(%arg12 : memref<!tpu.dma_semaphore, #tpu.memory_space<semaphore_mem>>) src(%dma_wait3A_80 : memref<80x256xf32, #tpu.memory_space<vmem>>) dst(%dma_wait3A_86 : memref<5120x256xf32, #tpu.memory_space<hbm>>)
    return
  }
}

module attributes {stable_mosaic.version = 14 : i64} {
  func.func @_k1_body(%arg0: i32, %arg1: memref<256x8xf32, #tpu.memory_space<vmem>>, %arg2: memref<8x5120xf32, #tpu.memory_space<vmem>>, %arg3: memref<256x1xi32, #tpu.memory_space<vmem>>, %arg4: memref<256x128xf32, #tpu.memory_space<vmem>>) attributes {dimension_semantics = [#tpu.dimension_semantics<arbitrary>], iteration_bounds = array<i64: 20>, scalar_prefetch = 0 : i64, scratch_operands = 0 : i64, tpu.core_type = #tpu.core_type<tc>, window_params = [{transform_indices = @transform_0, window_bounds = array<i64: 256, 8>}, {pipeline_mode = #tpu.pipeline_mode<synchronous>, transform_indices = @transform_1, window_bounds = array<i64: 8, 5120>}, {transform_indices = @transform_2, window_bounds = array<i64: 256, 1>}, {transform_indices = @transform_3, window_bounds = array<i64: 256, 128>}]} {
    %get3A = arith.constant 0 : index
    %get3A_0 = arith.constant 0 : index
    %get3A_1 = vector.load %arg1[%get3A, %get3A_0] : memref<256x8xf32, #tpu.memory_space<vmem>>, vector<256x8xf32>
    %slice3A = vector.extract_strided_slice %get3A_1 {offsets = [0, 0], sizes = [256, 1], strides = [1, 1]} : vector<256x8xf32> to vector<256x1xf32>
    %slice3A_2 = vector.extract_strided_slice %get3A_1 {offsets = [0, 1], sizes = [256, 1], strides = [1, 1]} : vector<256x8xf32> to vector<256x1xf32>
    %slice3A_3 = vector.extract_strided_slice %get3A_1 {offsets = [0, 2], sizes = [256, 1], strides = [1, 1]} : vector<256x8xf32> to vector<256x1xf32>
    %slice3A_4 = vector.extract_strided_slice %get3A_1 {offsets = [0, 3], sizes = [256, 1], strides = [1, 1]} : vector<256x8xf32> to vector<256x1xf32>
    %slice3A_5 = vector.extract_strided_slice %get3A_1 {offsets = [0, 4], sizes = [256, 1], strides = [1, 1]} : vector<256x8xf32> to vector<256x1xf32>
    %get3A_6 = arith.constant 0 : index
    %get3A_7 = arith.constant 0 : index
    %get3A_8 = vector.load %arg2[%get3A_6, %get3A_7] : memref<8x5120xf32, #tpu.memory_space<vmem>>, vector<8x5120xf32>
    %slice3A_9 = vector.extract_strided_slice %get3A_8 {offsets = [0, 0], sizes = [1, 5120], strides = [1, 1]} : vector<8x5120xf32> to vector<1x5120xf32>
    %slice3A_10 = vector.extract_strided_slice %get3A_8 {offsets = [1, 0], sizes = [1, 5120], strides = [1, 1]} : vector<8x5120xf32> to vector<1x5120xf32>
    %slice3A_11 = vector.extract_strided_slice %get3A_8 {offsets = [2, 0], sizes = [1, 5120], strides = [1, 1]} : vector<8x5120xf32> to vector<1x5120xf32>
    %slice3A_12 = vector.extract_strided_slice %get3A_8 {offsets = [3, 0], sizes = [1, 5120], strides = [1, 1]} : vector<8x5120xf32> to vector<1x5120xf32>
    %slice3A_13 = vector.extract_strided_slice %get3A_8 {offsets = [4, 0], sizes = [1, 5120], strides = [1, 1]} : vector<8x5120xf32> to vector<1x5120xf32>
    %sub3A = arith.subf %slice3A_3, %slice3A : vector<256x1xf32>
    %sub3A_14 = arith.subf %slice3A_4, %slice3A_2 : vector<256x1xf32>
    %mul3A = arith.mulf %sub3A, %sub3A_14 : vector<256x1xf32>
    %sub3A_15 = arith.subf %slice3A_11, %slice3A_9 : vector<1x5120xf32>
    %sub3A_16 = arith.subf %slice3A_12, %slice3A_10 : vector<1x5120xf32>
    %mul3A_17 = arith.mulf %sub3A_15, %sub3A_16 : vector<1x5120xf32>
    %min3A = vector.broadcast %slice3A_3 : vector<256x1xf32> to vector<256x5120xf32>
    %min3A_18 = vector.broadcast %slice3A_11 : vector<1x5120xf32> to vector<256x5120xf32>
    %min3A_19 = arith.minimumf %min3A, %min3A_18 : vector<256x5120xf32>
    %max3A = vector.broadcast %slice3A : vector<256x1xf32> to vector<256x5120xf32>
    %max3A_20 = vector.broadcast %slice3A_9 : vector<1x5120xf32> to vector<256x5120xf32>
    %max3A_21 = arith.maximumf %max3A, %max3A_20 : vector<256x5120xf32>
    %sub3A_22 = arith.subf %min3A_19, %max3A_21 : vector<256x5120xf32>
    %jit3A = arith.constant 0.000000e+00 : f32
    %max3A_23 = vector.broadcast %jit3A : f32 to vector<256x5120xf32>
    %max3A_24 = arith.maximumf %max3A_23, %sub3A_22 : vector<256x5120xf32>
    %min3A_25 = vector.broadcast %slice3A_4 : vector<256x1xf32> to vector<256x5120xf32>
    %min3A_26 = vector.broadcast %slice3A_12 : vector<1x5120xf32> to vector<256x5120xf32>
    %min3A_27 = arith.minimumf %min3A_25, %min3A_26 : vector<256x5120xf32>
    %max3A_28 = vector.broadcast %slice3A_2 : vector<256x1xf32> to vector<256x5120xf32>
    %max3A_29 = vector.broadcast %slice3A_10 : vector<1x5120xf32> to vector<256x5120xf32>
    %max3A_30 = arith.maximumf %max3A_28, %max3A_29 : vector<256x5120xf32>
    %sub3A_31 = arith.subf %min3A_27, %max3A_30 : vector<256x5120xf32>
    %jit3A_32 = arith.constant 0.000000e+00 : f32
    %max3A_33 = vector.broadcast %jit3A_32 : f32 to vector<256x5120xf32>
    %max3A_34 = arith.maximumf %max3A_33, %sub3A_31 : vector<256x5120xf32>
    %mul3A_35 = arith.mulf %max3A_24, %max3A_34 : vector<256x5120xf32>
    %add3A = vector.broadcast %mul3A : vector<256x1xf32> to vector<256x5120xf32>
    %add3A_36 = vector.broadcast %mul3A_17 : vector<1x5120xf32> to vector<256x5120xf32>
    %add3A_37 = arith.addf %add3A, %add3A_36 : vector<256x5120xf32>
    %sub3A_38 = arith.subf %add3A_37, %mul3A_35 : vector<256x5120xf32>
    %max3A_39 = arith.constant 9.99999997E-7 : f32
    %max3A_40 = vector.broadcast %max3A_39 : f32 to vector<256x5120xf32>
    %max3A_41 = arith.maximumf %sub3A_38, %max3A_40 : vector<256x5120xf32>
    %div3A = arith.divf %mul3A_35, %max3A_41 : vector<256x5120xf32>
    %mul3A_42 = arith.constant 256 : i32
    %mul3A_43 = arith.muli %arg0, %mul3A_42 : i32
    %iota3A = tpu.iota {dimensions = array<i32: 0>} : vector<256x1xi32>
    %add3A_44 = vector.broadcast %mul3A_43 : i32 to vector<256x1xi32>
    %add3A_45 = arith.addi %add3A_44, %iota3A : vector<256x1xi32>
    %iota3A_46 = tpu.iota {dimensions = array<i32: 1>} : vector<1x5120xi32>
    %gt3A = vector.broadcast %slice3A_13 : vector<1x5120xf32> to vector<256x5120xf32>
    %gt3A_47 = vector.broadcast %slice3A_5 : vector<256x1xf32> to vector<256x5120xf32>
    %gt3A_48 = arith.cmpf ogt, %gt3A, %gt3A_47 : vector<256x5120xf32>
    %eq3A = vector.broadcast %slice3A_13 : vector<1x5120xf32> to vector<256x5120xf32>
    %eq3A_49 = vector.broadcast %slice3A_5 : vector<256x1xf32> to vector<256x5120xf32>
    %eq3A_50 = arith.cmpf oeq, %eq3A, %eq3A_49 : vector<256x5120xf32>
    %lt3A = vector.broadcast %iota3A_46 : vector<1x5120xi32> to vector<256x5120xi32>
    %lt3A_51 = vector.broadcast %add3A_45 : vector<256x1xi32> to vector<256x5120xi32>
    %lt3A_52 = arith.cmpi slt, %lt3A, %lt3A_51 : vector<256x5120xi32>
    %and3A = arith.andi %eq3A_50, %lt3A_52 : vector<256x5120xi1>
    %or3A = arith.ori %gt3A_48, %and3A : vector<256x5120xi1>
    %lt3A_53 = arith.constant 3.000000e-01 : f32
    %lt3A_54 = vector.broadcast %lt3A_53 : f32 to vector<256x1xf32>
    %lt3A_55 = arith.cmpf olt, %slice3A_5, %lt3A_54 : vector<256x1xf32>
    %jit3A_56 = arith.constant 3.000000e-01 : f32
    %jit3A_57 = arith.constant 0.699999988 : f32
    %broadcast_in_dim3A = vector.broadcast %jit3A_56 : f32 to vector<256x1xf32>
    %broadcast_in_dim3A_58 = vector.broadcast %jit3A_57 : f32 to vector<256x1xf32>
    %select_n3A = arith.select %lt3A_55, %broadcast_in_dim3A, %broadcast_in_dim3A_58 : vector<256x1xi1>, vector<256x1xf32>
    %gt3A_59 = vector.broadcast %select_n3A : vector<256x1xf32> to vector<256x5120xf32>
    %gt3A_60 = arith.cmpf ogt, %div3A, %gt3A_59 : vector<256x5120xf32>
    %and3A_61 = arith.andi %or3A, %gt3A_60 : vector<256x5120xi1>
    %reduce_or3A = arith.constant 1.000000e+00 : f32
    %reduce_or3A_62 = arith.constant 0.000000e+00 : f32
    %reduce_or3A_63 = vector.broadcast %reduce_or3A : f32 to vector<256x5120xf32>
    %reduce_or3A_64 = vector.broadcast %reduce_or3A_62 : f32 to vector<256x5120xf32>
    %reduce_or3A_65 = arith.select %and3A_61, %reduce_or3A_63, %reduce_or3A_64 : vector<256x5120xi1>, vector<256x5120xf32>
    %reduce_or3A_66 = arith.constant dense<0xFF800000> : vector<256xf32>
    %reduce_or3A_67 = vector.multi_reduction <maximumf>, %reduce_or3A_65, %reduce_or3A_66 [1] : vector<256x5120xf32> to vector<256xf32>
    %reduce_or3A_68 = arith.constant 0.000000e+00 : f32
    %reduce_or3A_69 = vector.broadcast %reduce_or3A_68 : f32 to vector<256xf32>
    %reduce_or3A_70 = arith.cmpf ogt, %reduce_or3A_67, %reduce_or3A_69 : vector<256xf32>
    %broadcast_in_dim3A_71 = vector.shape_cast %reduce_or3A_70 : vector<256xi1> to vector<256x1xi1>
    %not3A = arith.constant dense<true> : vector<256x1xi1>
    %not3A_72 = arith.xori %broadcast_in_dim3A_71, %not3A : vector<256x1xi1>
    %convert_element_type3A = arith.extui %or3A : vector<256x5120xi1> to vector<256x5120xi32>
    %reduce_sum3A = arith.constant dense<0> : vector<256xi32>
    %reduce_sum3A_73 = vector.multi_reduction <add>, %convert_element_type3A, %reduce_sum3A [1] : vector<256x5120xi32> to vector<256xi32>
    %broadcast_in_dim3A_74 = vector.shape_cast %reduce_sum3A_73 : vector<256xi32> to vector<256x1xi32>
    %swap3A = arith.constant 0 : index
    %swap3A_75 = arith.constant 0 : index
    %swap3A_76 = vector.load %arg3[%swap3A, %swap3A_75] : memref<256x1xi32, #tpu.memory_space<vmem>>, vector<256x1xi32>
    tpu.vector_store %arg3[%swap3A, %swap3A_75], %broadcast_in_dim3A_74 {strides = array<i32>} : memref<256x1xi32, #tpu.memory_space<vmem>>, vector<256x1xi32>,
    %convert_element_type3A_77 = arith.extui %not3A_72 : vector<256x1xi1> to vector<256x1xi32>
    %convert_element_type3A_78 = arith.sitofp %convert_element_type3A_77 : vector<256x1xi32> to vector<256x1xf32>
    %gt3A_79 = arith.constant 0.699999988 : f32
    %gt3A_80 = vector.broadcast %gt3A_79 : f32 to vector<256x1xf32>
    %gt3A_81 = arith.cmpf ogt, %slice3A_5, %gt3A_80 : vector<256x1xf32>
    %and3A_82 = arith.andi %not3A_72, %gt3A_81 : vector<256x1xi1>
    %jit3A_83 = arith.constant 1.000000e+00 : f32
    %jit3A_84 = arith.constant 0.000000e+00 : f32
    %broadcast_in_dim3A_85 = vector.broadcast %jit3A_83 : f32 to vector<256x1xf32>
    %broadcast_in_dim3A_86 = vector.broadcast %jit3A_84 : f32 to vector<256x1xf32>
    %select_n3A_87 = arith.select %and3A_82, %broadcast_in_dim3A_85, %broadcast_in_dim3A_86 : vector<256x1xi1>, vector<256x1xf32>
    %slice3A_88 = vector.extract_strided_slice %get3A_1 {offsets = [0, 0], sizes = [256, 6], strides = [1, 1]} : vector<256x8xf32> to vector<256x6xf32>
    %broadcast_in_dim3A_89 = arith.constant 0.000000e+00 : f32
    %broadcast_in_dim3A_90 = vector.broadcast %broadcast_in_dim3A_89 : f32 to vector<256x120xf32>
    %concatenate3A = tpu.concatenate %slice3A_88, %select_n3A_87, %convert_element_type3A_78, %broadcast_in_dim3A_90 in 1 : vector<256x6xf32>, vector<256x1xf32>, vector<256x1xf32>, vector<256x120xf32> -> vector<256x128xf32>
    %swap3A_91 = arith.constant 0 : index
    %swap3A_92 = arith.constant 0 : index
    %swap3A_93 = vector.load %arg4[%swap3A_91, %swap3A_92] : memref<256x128xf32, #tpu.memory_space<vmem>>, vector<256x128xf32>
    tpu.vector_store %arg4[%swap3A_91, %swap3A_92], %concatenate3A {strides = array<i32>} : memref<256x128xf32, #tpu.memory_space<vmem>>, vector<256x128xf32>,
    return
  }
  func.func @transform_0(%arg0: i32) -> (i32, i32) {
    %c0_i32 = arith.constant 0 : i32
    %c0_i32_0 = arith.constant 0 : i32
    return %arg0, %c0_i32 : i32, i32
  }
  func.func @transform_1(%arg0: i32) -> (i32, i32) {
    %c0_i32 = arith.constant 0 : i32
    %c0_i32_0 = arith.constant 0 : i32
    %c0_i32_1 = arith.constant 0 : i32
    return %c0_i32, %c0_i32_0 : i32, i32
  }
  func.func @transform_2(%arg0: i32) -> (i32, i32) {
    %c0_i32 = arith.constant 0 : i32
    %c0_i32_0 = arith.constant 0 : i32
    return %arg0, %c0_i32 : i32, i32
  }
  func.func @transform_3(%arg0: i32) -> (i32, i32) {
    %c0_i32 = arith.constant 0 : i32
    %c0_i32_0 = arith.constant 0 : i32
    return %arg0, %c0_i32 : i32, i32
  }
}

module attributes {stable_mosaic.version = 14 : i64} {
  func.func @_k3_body(%arg0: i32, %arg1: memref<128x128xf32, #tpu.memory_space<vmem>>, %arg2: memref<128x256xf32, #tpu.memory_space<vmem>>, %arg3: memref<128x261xf32, #tpu.memory_space<vmem>>, %arg4: memref<128x8xi32, #tpu.memory_space<vmem>>, %arg5: memref<1x1xf32, #tpu.memory_space<vmem>>) attributes {dimension_semantics = [#tpu.dimension_semantics<arbitrary>], iteration_bounds = array<i64: 40>, scalar_prefetch = 0 : i64, scratch_operands = 1 : i64, tpu.core_type = #tpu.core_type<tc>, window_params = [{transform_indices = @transform_0, window_bounds = array<i64: 128, 128>}, {transform_indices = @transform_1, window_bounds = array<i64: 128, 256>}, {transform_indices = @transform_2, window_bounds = array<i64: 128, 261>}, {transform_indices = @transform_3, window_bounds = array<i64: 128, 8>}]} {
    %eq3A = arith.constant 0 : i32
    %eq3A_0 = arith.cmpi eq, %arg0, %eq3A : i32
    %convert_element_type3A = arith.extui %eq3A_0 : i1 to i32
    %cond3A = arith.constant 0 : i32
    %cond3A_1 = arith.cmpi ne, %convert_element_type3A, %cond3A : i32
    scf.if %cond3A_1 {
      %broadcast_in_dim3A_40 = arith.constant 0.000000e+00 : f32
      %broadcast_in_dim3A_41 = vector.broadcast %broadcast_in_dim3A_40 : f32 to vector<1x1xf32>
      %swap3A_42 = arith.constant 0 : index
      %swap3A_43 = arith.constant 0 : index
      %swap3A_44 = vector.load %arg5[%swap3A_42, %swap3A_43] : memref<1x1xf32, #tpu.memory_space<vmem>>, vector<1x1xf32>
      tpu.vector_store %arg5[%swap3A_42, %swap3A_43], %broadcast_in_dim3A_41 {strides = array<i32>} : memref<1x1xf32, #tpu.memory_space<vmem>>, vector<1x1xf32>,
    } else {
    }
    %get3A = arith.constant 0 : index
    %get3A_2 = arith.constant 0 : index
    %get3A_3 = vector.load %arg1[%get3A, %get3A_2] : memref<128x128xf32, #tpu.memory_space<vmem>>, vector<128x128xf32>
    %get3A_4 = arith.constant 0 : index
    %get3A_5 = arith.constant 0 : index
    %get3A_6 = vector.load %arg2[%get3A_4, %get3A_5] : memref<128x256xf32, #tpu.memory_space<vmem>>, vector<128x256xf32>
    %slice3A = vector.extract_strided_slice %get3A_3 {offsets = [0, 7], sizes = [128, 1], strides = [1, 1]} : vector<128x128xf32> to vector<128x1xf32>
    %slice3A_7 = vector.extract_strided_slice %get3A_3 {offsets = [0, 6], sizes = [128, 1], strides = [1, 1]} : vector<128x128xf32> to vector<128x1xf32>
    %iota3A = tpu.iota {dimensions = array<i32: 0>} : vector<128x128xi32>
    %iota3A_8 = tpu.iota {dimensions = array<i32: 1>} : vector<128x128xi32>
    %ge3A = arith.cmpi sge, %iota3A, %iota3A_8 : vector<128x128xi32>
    %convert_element_type3A_9 = arith.extui %ge3A : vector<128x128xi1> to vector<128x128xi32>
    %convert_element_type3A_10 = arith.sitofp %convert_element_type3A_9 : vector<128x128xi32> to vector<128x128xf32>
    %dot_general3A = arith.constant dense<0.000000e+00> : vector<128x1xf32>
    %dot_general3A_11 = tpu.matmul %convert_element_type3A_10, %slice3A_7, %dot_general3A {dimension_numbers = #tpu.dot_dimension_numbers<[1], [0], [0], [1], [0, 0, 1, 1], [], []>, transpose_lhs_hint = false} : vector<128x128xf32>, vector<128x1xf32>, vector<128x1xf32> -> vector<128x1xf32>
    %get3A_12 = arith.constant 0 : index
    %get3A_13 = arith.constant 0 : index
    %get3A_14 = vector.load %arg5[%get3A_12, %get3A_13] : memref<1x1xf32, #tpu.memory_space<vmem>>, vector<1x1xf32>
    %gt3A = arith.constant 5.000000e-01 : f32
    %gt3A_15 = vector.broadcast %gt3A : f32 to vector<128x1xf32>
    %gt3A_16 = arith.cmpf ogt, %slice3A_7, %gt3A_15 : vector<128x1xf32>
    %add3A = vector.broadcast %get3A_14 : vector<1x1xf32> to vector<128x1xf32>
    %add3A_17 = arith.addf %add3A, %dot_general3A_11 : vector<128x1xf32>
    %sub3A = arith.constant 1.000000e+00 : f32
    %sub3A_18 = vector.broadcast %sub3A : f32 to vector<128x1xf32>
    %sub3A_19 = arith.subf %add3A_17, %sub3A_18 : vector<128x1xf32>
    %convert_element_type3A_20 = arith.fptosi %sub3A_19 : vector<128x1xf32> to vector<128x1xi32>
    %jit3A = arith.constant -1 : i32
    %broadcast_in_dim3A = vector.broadcast %jit3A : i32 to vector<128x1xi32>
    %select_n3A = arith.select %gt3A_16, %convert_element_type3A_20, %broadcast_in_dim3A : vector<128x1xi1>, vector<128x1xi32>
    %slice3A_21 = vector.extract_strided_slice %dot_general3A_11 {offsets = [127, 0], sizes = [1, 1], strides = [1, 1]} : vector<128x1xf32> to vector<1x1xf32>
    %add3A_22 = arith.addf %get3A_14, %slice3A_21 : vector<1x1xf32>
    %swap3A = arith.constant 0 : index
    %swap3A_23 = arith.constant 0 : index
    %swap3A_24 = vector.load %arg5[%swap3A, %swap3A_23] : memref<1x1xf32, #tpu.memory_space<vmem>>, vector<1x1xf32>
    tpu.vector_store %arg5[%swap3A, %swap3A_23], %add3A_22 {strides = array<i32>} : memref<1x1xf32, #tpu.memory_space<vmem>>, vector<1x1xf32>,
    %slice3A_25 = vector.extract_strided_slice %get3A_3 {offsets = [0, 0], sizes = [128, 5], strides = [1, 1]} : vector<128x128xf32> to vector<128x5xf32>
    %mul3A = vector.broadcast %slice3A : vector<128x1xf32> to vector<128x5xf32>
    %mul3A_26 = arith.mulf %slice3A_25, %mul3A : vector<128x5xf32>
    %mul3A_27 = vector.broadcast %slice3A : vector<128x1xf32> to vector<128x256xf32>
    %mul3A_28 = arith.mulf %get3A_6, %mul3A_27 : vector<128x256xf32>
    %concatenate3A = tpu.concatenate %mul3A_26, %mul3A_28 in 1 : vector<128x5xf32>, vector<128x256xf32> -> vector<128x261xf32>
    %swap3A_29 = arith.constant 0 : index
    %swap3A_30 = arith.constant 0 : index
    %swap3A_31 = vector.load %arg3[%swap3A_29, %swap3A_30] : memref<128x261xf32, #tpu.memory_space<vmem>>, vector<128x261xf32>
    tpu.vector_store %arg3[%swap3A_29, %swap3A_30], %concatenate3A {strides = array<i32>} : memref<128x261xf32, #tpu.memory_space<vmem>>, vector<128x261xf32>,
    %slice3A_32 = vector.extract_strided_slice %get3A_3 {offsets = [0, 5], sizes = [128, 1], strides = [1, 1]} : vector<128x128xf32> to vector<128x1xf32>
    %convert_element_type3A_33 = arith.fptosi %slice3A_32 : vector<128x1xf32> to vector<128x1xi32>
    %broadcast_in_dim3A_34 = arith.constant 0 : i32
    %broadcast_in_dim3A_35 = vector.broadcast %broadcast_in_dim3A_34 : i32 to vector<128x6xi32>
    %concatenate3A_36 = tpu.concatenate %select_n3A, %convert_element_type3A_33, %broadcast_in_dim3A_35 in 1 : vector<128x1xi32>, vector<128x1xi32>, vector<128x6xi32> -> vector<128x8xi32>
    %swap3A_37 = arith.constant 0 : index
    %swap3A_38 = arith.constant 0 : index
    %swap3A_39 = vector.load %arg4[%swap3A_37, %swap3A_38] : memref<128x8xi32, #tpu.memory_space<vmem>>, vector<128x8xi32>
    tpu.vector_store %arg4[%swap3A_37, %swap3A_38], %concatenate3A_36 {strides = array<i32>} : memref<128x8xi32, #tpu.memory_space<vmem>>, vector<128x8xi32>,
    return
  }
  func.func @transform_0(%arg0: i32) -> (i32, i32) {
    %c0_i32 = arith.constant 0 : i32
    %c0_i32_0 = arith.constant 0 : i32
    return %arg0, %c0_i32 : i32, i32
  }
  func.func @transform_1(%arg0: i32) -> (i32, i32) {
    %c0_i32 = arith.constant 0 : i32
    %c0_i32_0 = arith.constant 0 : i32
    return %arg0, %c0_i32 : i32, i32
  }
  func.func @transform_2(%arg0: i32) -> (i32, i32) {
    %c0_i32 = arith.constant 0 : i32
    %c0_i32_0 = arith.constant 0 : i32
    return %arg0, %c0_i32 : i32, i32
  }
  func.func @transform_3(%arg0: i32) -> (i32, i32) {
    %c0_i32 = arith.constant 0 : i32
    %c0_i32_0 = arith.constant 0 : i32
    return %arg0, %c0_i32 : i32, i32
  }
}

</mosaic_0001>

<sc_bundles>
// kernel: kernel.5.cloned.1.call-start
scs
__scs_entry_jumppad:
0x0: {  	(pc) =	sbr.rel $0x88, $3  }
0x1: {  	(tag) =	ssettag $0x0;
	lr =	simm.s32 $0x1  }
0x2: {  	[smem:$0x3F9D] =	sst lr;
	_ =	strace $0xD0000000  }
0x3: {  	_ = 	snop  }
0x4: {  	_ = 	snop  }
0x5: {  	_ = 	snop  }
0x6: {  	_ = 	snop  }
0x7: {  	_ = 	snop  }
__scs_overlays_trampoline_lowered:
0x8: {  	[smem:$0x3FAC] =	sst s0  }
0x9: {  	[smem:$0x3FAD] =	sst s1  }
0xa: {  	[smem:$0x3FAE] =	sst s2  }
0xb: {  	[smem:$0x3FAF] =	sst s3  }
0xc: {  	[smem:$0x3FB0] =	sst s4  }
0xd: {  	[smem:$0x3FB1] =	sst s5  }
0xe: {  	[smem:$0x3FB2] =	sst s6  }
0xf: {  	[smem:$0x3FB3] =	sst s7  }
0x10: {  	[smem:$0x3FB4] =	sst s8  }
0x11: {  	[smem:$0x3FB5] =	sst s9;
	s0 =	simm.s32 @!p0 $0x0  }
0x12: {  	s1 =	sld [smem:$0x3F9B];
	s0 =	simm.s32 @p0 $0x1  }
0x13: {  	[smem:$0x3FB6] =	sst s0;
	s0 =	simm.s32 @!p1 $0x0  }
0x14: {  	s2 =	sld [smem:$0x3F9A];
	s0 =	simm.s32 @p1 $0x1  }
0x15: {  	[smem:$0x3FB7] =	sst s0;
	s0 =	simm.s32 @!p2 $0x0  }
0x16: {  	s3 =	sld [smem:$0x3FDB];
	s0 =	simm.s32 @p2 $0x1  }
0x17: {  	s4 =	simm.s32 $0x1BF5;
	[smem:$0x3FB9] =	sst s0  }
0x18: {  	s0 =	sld [smem:$0x3F9C];
	_ =	swait.ge [sflag:s4], $0x0  }
0x19: {  	s7 =	sld [smem:$0x3F9D]  }
0x1a: {  	s8 =	sadd.s32 $0xFFFFE003, lr  }
0x1b: {  	s9 =	sadd.s32 $0xFFFFFEF7, lr;
	s5 =	simm.s32 $0xFFFFFFFF;
	p2 =	slt.u32 s8, $0xFFFFF086  }
0x1c: {  	p1 =	slt.u32 s9, $0xF7A;
	s5 =	simm.s32 @!p2 $0x0  }
0x1d: {  	s5 =	simm.s32 @p1 $0x1;
	p0 =	seq.s32 s7, s2  }
0x1e: {  	s7 =	smul.u32 @!p0 $0xF7A, s2;
	p2 =	seq.s32 @!p0 s5, $0x0  }
0x1f: {  	s9 =	smul.u32 $0xF7A, s1;
	s8 =	simm.s32 @!p0 $0x1BF5;
	p2 =	por !p2, p0  }
0x20: {  	[sflag:s8] =	ssyncset.s32 @!p0 $0xFFFFF086;
	s6 =	sadd.s32 @!p0 s3, s7;
	s7 =	simm.s32 @!p0 $0x108  }
0x21: {  	s3 =	sadd.s32 s3, s9;
	s6 =	sadd.s32 @!p0 $0x88, s6;
	s7 =	simm.s32 @p2 $0x1082  }
0x22: {  	[simem:s7], [sflag:s8] =	dma.local @!p0 [hbm:s6], $0xF7A  }
0x23: {  	s9 =	sor.u32 $0xD0000000, s2;
	s6 =	simm.s32 $0x108;
	_ =	swait.ge @!p0 [sflag:s8], $0x0  }
0x24: {  	s3 =	sadd.s32 $0x88, s3;
	s6 =	simm.s32 @!p1 $0x1082;
	[sflag:s4] =	ssyncset.s32 $0xFFFFF086  }
0x25: {  	[simem:s6], [sflag:s4] =	dma.local [hbm:s3], $0xF7A  }
0x26: {  	[smem:$0x3F9D] =	sst s1;
	(tag) =	ssettag s2;
	_ =	strace s9  }
0x27: {  	s1 =	sld [smem:$0x3FAD]  }
0x28: {  	s2 =	sld [smem:$0x3FAE]  }
0x29: {  	s4 =	sld [smem:$0x3FB0]  }
0x2a: {  	p0 =	seq.s32 s5, $0x0;
	s5 =	sld [smem:$0x3FB1]  }
0x2b: {  	s6 =	sld [smem:$0x3FB2]  }
0x2c: {  	s7 =	sld [smem:$0x3FB3]  }
0x2d: {  	s3 =	simm.s32 $0x108;
	s8 =	sld [smem:$0x3FB4]  }
0x2e: {  	s3 =	simm.s32 @!p0 $0x1082;
	s9 =	sld [smem:$0x3FB5]  }
0x2f: {  	lr =	sadd.s32 s0, s3;
	s0 =	sld [smem:$0x3FAC]  }
0x30: {  	s3 =	sld [smem:$0x3FAF]  }
0x31: {  	[smem:$0x3FB8] =	sst s10  }
0x32: {  	s10 =	sld [smem:$0x3FB6];
	_ =	sdelay $0x3  }
0x33: {  	p0 =	seq.s32 s10, $0x1;
	s10 =	sld [smem:$0x3FB8];
	_ =	sdelay $0x3  }
0x34: {  	[smem:$0x3FB8] =	sst s10  }
0x35: {  	s10 =	sld [smem:$0x3FB7];
	_ =	sdelay $0x3  }
0x36: {  	p1 =	seq.s32 s10, $0x1;
	s10 =	sld [smem:$0x3FB8];
	_ =	sdelay $0x3  }
0x37: {  	[smem:$0x3FB8] =	sst s10  }
0x38: {  	s10 =	sld [smem:$0x3FB9]  }
0x39: {  	_ = 	snop;
	(pc) =	sbr.ind lr, $3  }
0x3a: {  	_ = 	snop  }
0x3b: {  	_ = 	snop  }
0x3c: {  	p2 =	seq.s32 s10, $0x1;
	s10 =	sld [smem:$0x3FB8]  }
0x3d: {  	_ =	shalt  }
0x3e: {  	_ =	shalt  }
0x3f: {  	_ =	shalt  }
0x40: {  	_ =	shalt  }
0x41: {  	_ =	shalt  }
0x42: {  	_ =	shalt  }
0x43: {  	_ =	shalt  }
0x44: {  	_ =	shalt  }
0x45: {  	_ =	shalt  }
0x46: {  	_ =	shalt  }
0x47: {  	_ =	shalt  }
0x48: {  	_ =	shalt  }
0x49: {  	_ =	shalt  }
0x4a: {  	_ =	shalt  }
0x4b: {  	_ =	shalt  }
0x4c: {  	_ =	shalt  }
0x4d: {  	_ =	shalt  }
0x4e: {  	_ =	shalt  }
0x4f: {  	_ =	shalt  }
0x50: {  	_ =	shalt  }
0x51: {  	_ =	shalt  }
0x52: {  	_ =	shalt  }
0x53: {  	_ =	shalt  }
0x54: {  	_ =	shalt  }
0x55: {  	_ =	shalt  }
0x56: {  	_ =	shalt  }
0x57: {  	_ =	shalt  }
0x58: {  	_ =	shalt  }
0x59: {  	_ =	shalt  }
0x5a: {  	_ =	shalt  }
0x5b: {  	_ =	shalt  }
0x5c: {  	_ =	shalt  }
0x5d: {  	_ =	shalt  }
0x5e: {  	_ =	shalt  }
0x5f: {  	_ =	shalt  }
0x60: {  	_ =	shalt  }
0x61: {  	_ =	shalt  }
0x62: {  	_ =	shalt  }
0x63: {  	_ =	shalt  }
0x64: {  	_ =	shalt  }
0x65: {  	_ =	shalt  }
0x66: {  	_ =	shalt  }
0x67: {  	_ =	shalt  }
0x68: {  	_ =	shalt  }
0x69: {  	_ =	shalt  }
0x6a: {  	_ =	shalt  }
0x6b: {  	_ =	shalt  }
0x6c: {  	_ =	shalt  }
0x6d: {  	_ =	shalt  }
0x6e: {  	_ =	shalt  }
0x6f: {  	_ =	shalt  }
0x70: {  	_ =	shalt  }
0x71: {  	_ =	shalt  }
0x72: {  	_ =	shalt  }
0x73: {  	_ =	shalt  }
0x74: {  	_ =	shalt  }
0x75: {  	_ =	shalt  }
0x76: {  	_ =	shalt  }
0x77: {  	_ =	shalt  }
0x78: {  	_ =	shalt  }
0x79: {  	_ =	shalt  }
0x7a: {  	_ =	shalt  }
0x7b: {  	_ =	shalt  }
0x7c: {  	_ =	shalt  }
0x7d: {  	_ =	shalt  }
0x7e: {  	_ =	shalt  }
0x7f: {  	_ =	shalt  }
0x80: {  	_ =	shalt  }
0x81: {  	_ =	shalt  }
0x82: {  	_ =	shalt  }
0x83: {  	_ =	shalt  }
0x84: {  	_ =	shalt  }
0x85: {  	_ =	shalt  }
0x86: {  	_ =	shalt  }
0x87: {  	_ =	shalt  }
.Lfunc_end0:
.L_simem_size_0:
called_computation_lowered:
.L_overlay_start_0:
0x88: {  	s2 =	sld [smem:$0x3FD9]  }
0x89: {  	s3 =	sld [smem:$0x3FFE];
	_ =	sdelay $0x1  }
0x8a: {  	s1 =	srdreg.scid  }
0x8b: {  	s0 =	sand.u32 $0x1, s1  }
0x8c: {  	s14 =	sshll.u32 s0, $0xA;
	s2 =	sadd.s32 s3, s2  }
0x8d: {  	s2 =	sadd.s32 s2, s14  }
0x8e: {  	[smem:$0x3FC4] =	sst s2  }
0x8f: {  	_ = 	snop  }
0x90: {  	s2 =	sld [smem:$0x3FD0];
	_ =	sdelay $0x2  }
0x91: {  	s4 =	simm.s32 $0xA;
	s5 =	simm.s32 $0x10;
	s15 =	sld [smem:$0x3FC6]  }
0x92: {  	[smem:s5], [sflag:s4] =	dma.local [hbm:s2], $0x1  }
0x93: {  	_ =	swait.eq [sflag:s4], $0x1  }
0x94: {  	[sflag:s4] =	ssyncset.done $0x0  }
0x95: {  	[sflag:s4] =	ssyncadd.s32 $0xFFFFFFFF  }
0x96: {  	s16 =	sld [smem:$0x10];
	(tm) =	ssettm $0x1  }
0x97: {  	s17 =	sld [smem:$0x3FFB];
	_ =	sdelay $0x3  }
0x98: {  	_ =	strace s17  }
0x99: {  	s4 =	sld [smem:$0x3FFC];
	_ =	sdelay $0x3  }
0x9a: {  	_ =	strace s4  }
0x9b: {  	s4 =	sld [smem:$0x3FFD];
	_ =	sdelay $0x3  }
0x9c: {  	_ =	strace s4  }
0x9d: {  	_ =	strace $0x8FFFFFFF  }
0x9e: {  	s18 =	sld [smem:$0x3FDB];
	_ =	sdelay $0x1  }
0x9f: {  	s19 =	simm.s32 $_scs_section_size  }
0xa0: {  	s6 =	simm.s32 $_size__tile_overlayer_lowered;
	s7 =	simm.s32 $_tile_overlayer_lowered  }
0xa1: {  	s22 =	simm.s32 $0x1BFF;
	s21 =	sshll.u32 s7, $0x1;
	s4 =	sadd.s32 s19, s18  }
0xa2: {  	s8 =	simm.s32 $0x0;
	s20 =	sshll.u32 s6, $0x1;
	s6 =	sadd.s32 s21, s4  }
0xa3: {  	[timem:s8], [sflag:s22] =	dma.local [hbm:s6], s20  }
0xa4: {  	_ =	swait.ge [sflag:s22], s20  }
0xa5: {  	s5 =	ssub.s32 $0x0, s20;
	[sflag:s22] =	ssyncset.done $0x0  }
0xa6: {  	[sflag:s22] =	ssyncadd.s32 s5;
	_ =	sdelay $0x1  }
0xa7: {  	s23 =	simm.s32 $0x1B8B  }
0xa8: {  	_ =	swait.ge [sflag:s23], $0x1  }
0xa9: {  	[sflag:s23] =	ssyncset.done $0x0  }
0xaa: {  	s25 =	simm.s32 $0x1B8E;
	s24 =	sld [smem:$0x3FFE];
	[sflag:s23] =	ssyncadd.s32 $0xFFFFFFFF  }
0xab: {  	s26 =	simm.s32 $execute0_lowered;
	[smem:$0x3FD2] =	sst s25  }
0xac: {  	s6 =	sshll.u32 s26, $0x1;
	_ =	strace $0x80000046;
	[dreg:$0x1] =	wrdreg $0xFFFFFFFF  }
0xad: {  	s28 =	simm.s32 $_size_execute0_lowered;
	s4 =	sadd.s32 s4, s6;
	[dreg:$0x0] =	wrdreg $0x0  }
0xae: {  	s6 =	sshll.u32 s28, $0x1;
	[dreg:$0x2] =	wrdreg s4  }
0xaf: {  	[dreg:$0x3] =	wrdreg s6  }
0xb0: {  	[dreg:$0x4] =	wrdreg $0xC0  }
0xb1: {  	_ =	task [dreg:s8], $0x5FFFF  }
0xb2: {  	[dreg:$0x1] =	wrdreg $0xFFFFFFFF  }
0xb3: {  	[dreg:$0x0] =	wrdreg $0x60  }
0xb4: {  	[dreg:$0x2] =	wrdreg s24  }
0xb5: {  	[dreg:$0x3] =	wrdreg s15  }
0xb6: {  	[dreg:$0x4] =	wrdreg s16  }
0xb7: {  	[dreg:$0x5] =	wrdreg $0x9  }
0xb8: {  	_ =	task.clear_ibuf [dreg:s8], $0x6FFFF;
	_ =	strace $0x90000046  }
0xb9: {  	s29 =	simm.s32 $0x9;
	_ =	strace $0x80000048  }
0xba: {  	_ =	swait.ge [sflag:s29], $0x1  }
0xbb: {  	[sflag:s29] =	ssyncadd.s32 $0xFFFFFFFF  }
0xbc: {  	_ =	strace $0x90000048  }
0xbd: {  	_ =	sfence  }
0xbe: {  	s30 =	sld [smem:$0x0];
	_ =	sdelay $0x2  }
0xbf: {  	s31 =	sshll.u32 s1, $0xD;
	s1 =	sshrl.u32 s1, $0x2  }
0xc0: {  	s3 =	sand.u32 $0x4000, s31;
	s1 =	sadd.s32 s1, s30  }
0xc1: {  	s0 =	sor.u32 s3, s0;
	s1 =	sshll.u32 s1, $0x11  }
0xc2: {  	s0 =	sor.u32 s1, s0  }
0xc3: {  	s0 =	sadd.s32 $0x8F2B, s0  }
0xc4: {  	[sflag:s0] =	ssyncadd.remote.s32 $0x1  }
0xc5: {  	_ =	sfence.sel $0xFFFF  }
0xc6: {  	[dreg:$0x0] =	wrdreg $0xFFFFFFFF;
	(pc) =	sbr.abs _section_cstart, $3  }
0xc7: {  	[dreg:$0x1] =	wrdreg $0xFFFFFFFF  }
0xc8: {  	_ =	task.clear_ibuf [dreg:s8], $0x2FFFF;
	_ =	strace $0x9FFFFFFF  }
0xc9: {  	(tm) =	ssettm $0x7FFFFFFF  }
tec
execute0_lowered:
.L_overlay_start_1:
0x0: {  	(tag) =	ssettag $0x1  }
0x1: {  	s4 =	rddreg [dreg:$0x0]  }
0x2: {  	s5 =	rddreg [dreg:$0x1]  }
0x3: {  	s1 =	srdreg.scid;
	s0 =	stileid.u32  }
0x4: {  	s2 =	rddreg [dreg:$0x2];
	s3 =	simm.s32 $0x0;
	s24 =	simm.s32 $0x5100  }
0x5: {  	s25 =	simm.s32 $0x5900;
	s26 =	simm.s32 $0x6100;
	s28 =	simm.s32 $0x6900  }
0x6: {  	s29 =	simm.s32 $0x7100;
	s6 =	sand.u32 $0x1, s1;
	s1 =	rddreg [dreg:$0x3]  }
0x7: {  	s30 =	simm.s32 $0x7900;
	[smem:$0x7FF] =	sst s3;
	s10 =	sadd.s32 $0x14A00, s4  }
0x8: {  	s31 =	simm.s32 $0x8100;
	_ =	strace $0x80000047;
	[dreg:$0x4] =	wrdreg s10  }
0x9: {  	s11 =	simm.s32 $0x9900;
	s12 =	simm.s32 $0x80;
	[dreg:$0x9] =	wrdreg s24  }
0xa: {  	s13 =	simm.s32 $0x2900;
	s14 =	simm.s32 $0xA100;
	[dreg:$0xa] =	wrdreg s25  }
0xb: {  	s15 =	simm.s32 $0xA900;
	s16 =	simm.s32 $0xB100;
	[dreg:$0xb] =	wrdreg s26  }
0xc: {  	s17 =	simm.s32 $0xB900;
	s18 =	simm.s32 $0xC100;
	[dreg:$0xc] =	wrdreg s28  }
0xd: {  	s19 =	simm.s32 $0xC900;
	s7 =	sshll.u32 s0, $0x1;
	[dreg:$0xd] =	wrdreg s29  }
0xe: {  	s20 =	simm.s32 $0xD100;
	s7 =	sor.u32 s6, s7;
	[dreg:$0xe] =	wrdreg s30  }
0xf: {  	s6 =	ssub.s32 $0x2, s6;
	[dreg:$0xf] =	wrdreg s31;
	s10 =	simm.s32 $0x9100  }
0x10: {  	s24 =	simm.s32 $0x1;
	s25 =	simm.s32 $0x2;
	s8 =	smul.u32 $0xA00, s7  }
0x11: {  	s9 =	sshll.u32 s7, $0x5;
	s21 =	smul.u32 $0x1400, s7;
	s23 =	sshrl.u32 s6, $0x1  }
0x12: {  	p0 =	seq.s32 s7, $0x1F;
	s7 =	simm.s32 $0x100;
	s9 =	sadd.s32 s9, s4  }
0x13: {  	s6 =	ssub.s32 s6, s23;
	s23 =	simm.s32 $0xE900;
	s9 =	sadd.s32 $0x14600, s9  }
0x14: {  	s8 =	sadd.s32 s8, s4;
	s22 =	sadd.s32 s5, s21;
	[dreg:$0x5] =	wrdreg s9  }
0x15: {  	s4 =	sadd.s32 $0x15A00, s4;
	s5 =	sadd.s32 $0x26C00, s5;
	[dreg:$0x7] =	wrdreg s22  }
0x16: {  	v2 =	vlaneseq.u32;
	s21 =	simm.s32 $0xD900;
	s8 =	sadd.s32 $0x600, s8;
	[dreg:$0x8] =	wrdreg s5  }
0x17: {  	vm0 =	vmmov $0xffff;
	v1 =	vshrl.u32 v2, $0x3;
	s5 =	smax.u32 s6, $0x1;
	s6 =	simm.s32 $0x3;
	s9 =	simm.s32 $0x8900  }
0x18: {  	v0 =	vand.u32 $0x7, v2;
	v2 =	vor.u32 $0x8, v2;
	v1 =	vmul.u32 $0x8, v1;
	s22 =	simm.s32 $0xE100;
	[dreg:$0x6] =	wrdreg s8;
	s8 =	simm.s32 $0x50  }
.LBB2_1:
0x19: {  	s26 =	rddreg [dreg:$0x5]  }
0x1a: {  	[tilespmem:s3], [sflag:$0x3] =	stream.linear.gather [hbm4b:s26+s3], $0x100, $0x38;
	[tilespmem:$0xF100] =	vst v63  }
0x1b: {  	_ =	swait.ge [sflag:s6], $0x100  }
0x1c: {  	[sflag:s6] =	ssyncset.done $0x0  }
0x1d: {  	s30 =	rddreg [dreg:$0x6];
	[sflag:s6] =	ssyncadd.s32 $0xFFFFFF00  }
0x1e: {  	[tilespmem:s7], [sflag:$0x3] =	stream.linear.gather [hbm4b:s30+s3], $0x5000, $0x38;
	[tilespmem:$0xF100] =	vst v63  }
0x1f: {  	_ =	swait.ge [sflag:s6], $0x5000  }
0x20: {  	s28 =	simm.s32 @p0 $0x0;
	[sflag:s6] =	ssyncset.done $0x0  }
0x21: {  	s29 =	simm.s32 @p0 $0x5100;
	s26 =	rddreg [dreg:$0x8];
	[sflag:s6] =	ssyncadd.s32 $0xFFFFB000  }
0x22: {  	[tilespmem:s29], [sflag:$0x3] =	stream.linear.gather @p0 [hbm4b:s26+s28], $0x2800, $0x38;
	[tilespmem:$0xF100] =	vst v63  }
0x23: {  	s26 =	simm.s32 @p0 $0x3  }
0x24: {  	_ =	swait.ge @p0 [sflag:s26], $0x2800  }
0x25: {  	[sflag:s26] =	ssyncset.done @p0 $0x0  }
0x26: {  	s30 =	simm.s32 @p0 $0x7900;
	s29 =	rddreg [dreg:$0x4];
	[sflag:s26] =	ssyncadd.s32 @p0 $0xFFFFD800  }
0x27: {  	[tilespmem:s30], [sflag:$0x3] =	stream.linear.gather @p0 [hbm4b:s29+s28], $0x7800, $0x38;
	[tilespmem:$0xF100] =	vst v63  }
0x28: {  	_ =	swait.ge @p0 [sflag:s26], $0x7800  }
0x29: {  	s29 =	simm.s32 @!p0 $0x5100;
	[sflag:s26] =	ssyncset.done @p0 $0x0  }
0x2a: {  	s28 =	rddreg [dreg:$0x7];
	[sflag:s26] =	ssyncadd.s32 @p0 $0xFFFF8800;
	s26 =	simm.s32 @!p0 $0x0  }
0x2b: {  	[tilespmem:s29], [sflag:$0x3] =	stream.linear.gather @!p0 [hbm4b:s28+s26], $0xA000, $0x38;
	[tilespmem:$0xF100] =	vst v63  }
0x2c: {  	s26 =	simm.s32 @!p0 $0x3  }
0x2d: {  	_ =	swait.ge @!p0 [sflag:s26], $0xA000  }
0x2e: {  	[sflag:s26] =	ssyncset.done @!p0 $0x0  }
0x2f: {  	[sflag:s26] =	ssyncadd.s32 @!p0 $0xFFFF6000  }
0x30: {  	[hbm4b:s4+s8] =	stream.indirect.scatter [tilespmem:s7], [sflag:$0x1], $0x80, s3, s8, $0xb8;
	[tilespmem:$0xF100] =	vst v63  }
0x31: {  	v3 =	vld [tilespmem:$0x0];
	_ =	sdelay $0x4  }
0x32: {  	v4 =	vshll.u32 v3, $0x1  }
0x33: {  	v3 =	vand.u32 $0x7, v3;
	v4 =	vand.u32 $0xFFFFFFF0, v4  }
0x34: {  	v3 =	vor.u32 v3, v4  }
0x35: {  	v4 =	vperm.xlane v3, v0;
	_ =	sdelay $0x1  }
0x36: {  	v3 =	vperm.xlane v3, v2;
	v4 =	vadd.s32 v1, v4;
	_ =	sdelay $0x1  }
0x37: {  	v3 =	vadd.s32 v1, v3;
	_ =	sdelay $0x1  }
0x38: {  	s31 =	rddreg [dreg:$0x9]  }
0x39: {  	[hbm4b:s2+s3] =	stream.indirect_vreg.scatter [tilespmem:s31], [sflag:$0x2], $0x80, v4, vm0, $0xb8;
	[tilespmem:$0xF100] =	vst v63  }
0x3a: {  	s29 =	rddreg [dreg:$0xa]  }
0x3b: {  	[hbm4b:s2+s3] =	stream.indirect_vreg.scatter [tilespmem:s29], [sflag:$0x2], $0x80, v3, vm0, $0xb8;
	[tilespmem:$0xF100] =	vst v63  }
0x3c: {  	v3 =	vld [tilespmem:$0x10];
	_ =	sdelay $0x4  }
0x3d: {  	v55 =	vshll.u32 v3, $0x1  }
0x3e: {  	v3 =	vand.u32 $0x7, v3;
	v4 =	vand.u32 $0xFFFFFFF0, v55  }
0x3f: {  	v3 =	vor.u32 v3, v4  }
0x40: {  	v4 =	vperm.xlane v3, v0;
	_ =	sdelay $0x1  }
0x41: {  	v3 =	vperm.xlane v3, v2;
	v4 =	vadd.s32 v1, v4;
	_ =	sdelay $0x1  }
0x42: {  	v3 =	vadd.s32 v1, v3;
	_ =	sdelay $0x1  }
0x43: {  	s30 =	rddreg [dreg:$0xb]  }
0x44: {  	[hbm4b:s2+s3] =	stream.indirect_vreg.scatter [tilespmem:s30], [sflag:$0x2], $0x80, v4, vm0, $0xb8;
	[tilespmem:$0xF100] =	vst v63  }
0x45: {  	s31 =	rddreg [dreg:$0xc]  }
0x46: {  	[hbm4b:s2+s3] =	stream.indirect_vreg.scatter [tilespmem:s31], [sflag:$0x2], $0x80, v3, vm0, $0xb8;
	[tilespmem:$0xF100] =	vst v63  }
0x47: {  	v3 =	vld [tilespmem:$0x20];
	_ =	sdelay $0x4  }
0x48: {  	v56 =	vshll.u32 v3, $0x1  }
0x49: {  	v3 =	vand.u32 $0x7, v3;
	v4 =	vand.u32 $0xFFFFFFF0, v56  }
0x4a: {  	v3 =	vor.u32 v3, v4  }
0x4b: {  	v4 =	vperm.xlane v3, v0;
	_ =	sdelay $0x1  }
0x4c: {  	v3 =	vperm.xlane v3, v2;
	v4 =	vadd.s32 v1, v4;
	_ =	sdelay $0x1  }
0x4d: {  	v3 =	vadd.s32 v1, v3;
	_ =	sdelay $0x1  }
0x4e: {  	s29 =	rddreg [dreg:$0xd]  }
0x4f: {  	[hbm4b:s2+s3] =	stream.indirect_vreg.scatter [tilespmem:s29], [sflag:$0x2], $0x80, v4, vm0, $0xb8;
	[tilespmem:$0xF100] =	vst v63  }
0x50: {  	s30 =	rddreg [dreg:$0xe]  }
0x51: {  	[hbm4b:s2+s3] =	stream.indirect_vreg.scatter [tilespmem:s30], [sflag:$0x2], $0x80, v3, vm0, $0xb8;
	[tilespmem:$0xF100] =	vst v63  }
0x52: {  	v3 =	vld [tilespmem:$0x30];
	_ =	sdelay $0x4  }
0x53: {  	v57 =	vshll.u32 v3, $0x1  }
0x54: {  	v3 =	vand.u32 $0x7, v3;
	v4 =	vand.u32 $0xFFFFFFF0, v57  }
0x55: {  	v3 =	vor.u32 v3, v4  }
0x56: {  	v4 =	vperm.xlane v3, v0;
	_ =	sdelay $0x1  }
0x57: {  	v3 =	vperm.xlane v3, v2;
	v4 =	vadd.s32 v1, v4;
	_ =	sdelay $0x1  }
0x58: {  	v3 =	vadd.s32 v1, v3;
	_ =	sdelay $0x1  }
0x59: {  	s31 =	rddreg [dreg:$0xf]  }
0x5a: {  	[hbm4b:s2+s3] =	stream.indirect_vreg.scatter [tilespmem:s31], [sflag:$0x2], $0x80, v4, vm0, $0xb8;
	[tilespmem:$0xF100] =	vst v63  }
0x5b: {  	_ = 	snop  }
0x5c: {  	[hbm4b:s2+s3] =	stream.indirect_vreg.scatter [tilespmem:s9], [sflag:$0x2], $0x80, v3, vm0, $0xb8;
	[tilespmem:$0xF100] =	vst v63  }
0x5d: {  	v3 =	vld [tilespmem:$0x40];
	_ =	sdelay $0x4  }
0x5e: {  	v58 =	vshll.u32 v3, $0x1  }
0x5f: {  	v3 =	vand.u32 $0x7, v3;
	v4 =	vand.u32 $0xFFFFFFF0, v58  }
0x60: {  	v3 =	vor.u32 v3, v4  }
0x61: {  	v4 =	vperm.xlane v3, v0;
	_ =	sdelay $0x1  }
0x62: {  	v3 =	vperm.xlane v3, v2;
	v4 =	vadd.s32 v1, v4;
	_ =	sdelay $0x1  }
0x63: {  	v3 =	vadd.s32 v1, v3;
	_ =	sdelay $0x2  }
0x64: {  	[hbm4b:s2+s3] =	stream.indirect_vreg.scatter [tilespmem:s10], [sflag:$0x2], $0x80, v4, vm0, $0xb8;
	[tilespmem:$0xF100] =	vst v63  }
0x65: {  	_ = 	snop  }
0x66: {  	[hbm4b:s2+s3] =	stream.indirect_vreg.scatter [tilespmem:s11], [sflag:$0x2], $0x80, v3, vm0, $0xb8;
	[tilespmem:$0xF100] =	vst v63  }
0x67: {  	_ = 	snop  }
0x68: {  	[hbm4b:s4+s8] =	stream.indirect.scatter [tilespmem:s13], [sflag:$0x1], $0x80, s12, s8, $0xb8;
	[tilespmem:$0xF100] =	vst v63  }
0x69: {  	v3 =	vld [tilespmem:$0x80];
	_ =	sdelay $0x4  }
0x6a: {  	v59 =	vshll.u32 v3, $0x1  }
0x6b: {  	v3 =	vand.u32 $0x7, v3;
	v4 =	vand.u32 $0xFFFFFFF0, v59  }
0x6c: {  	v3 =	vor.u32 v3, v4  }
0x6d: {  	v4 =	vperm.xlane v3, v0;
	_ =	sdelay $0x1  }
0x6e: {  	v3 =	vperm.xlane v3, v2;
	v4 =	vadd.s32 v1, v4;
	_ =	sdelay $0x1  }
0x6f: {  	v3 =	vadd.s32 v1, v3;
	_ =	sdelay $0x2  }
0x70: {  	[hbm4b:s2+s3] =	stream.indirect_vreg.scatter [tilespmem:s14], [sflag:$0x2], $0x80, v4, vm0, $0xb8;
	[tilespmem:$0xF100] =	vst v63  }
0x71: {  	_ = 	snop  }
0x72: {  	[hbm4b:s2+s3] =	stream.indirect_vreg.scatter [tilespmem:s15], [sflag:$0x2], $0x80, v3, vm0, $0xb8;
	[tilespmem:$0xF100] =	vst v63  }
0x73: {  	v3 =	vld [tilespmem:$0x90];
	_ =	sdelay $0x4  }
0x74: {  	v60 =	vshll.u32 v3, $0x1  }
0x75: {  	v3 =	vand.u32 $0x7, v3;
	v4 =	vand.u32 $0xFFFFFFF0, v60  }
0x76: {  	v3 =	vor.u32 v3, v4  }
0x77: {  	v4 =	vperm.xlane v3, v0;
	_ =	sdelay $0x1  }
0x78: {  	v3 =	vperm.xlane v3, v2;
	v4 =	vadd.s32 v1, v4;
	_ =	sdelay $0x1  }
0x79: {  	v3 =	vadd.s32 v1, v3;
	_ =	sdelay $0x2  }
0x7a: {  	[hbm4b:s2+s3] =	stream.indirect_vreg.scatter [tilespmem:s16], [sflag:$0x2], $0x80, v4, vm0, $0xb8;
	[tilespmem:$0xF100] =	vst v63  }
0x7b: {  	_ = 	snop  }
0x7c: {  	[hbm4b:s2+s3] =	stream.indirect_vreg.scatter [tilespmem:s17], [sflag:$0x2], $0x80, v3, vm0, $0xb8;
	[tilespmem:$0xF100] =	vst v63  }
0x7d: {  	v3 =	vld [tilespmem:$0xA0];
	_ =	sdelay $0x4  }
0x7e: {  	v61 =	vshll.u32 v3, $0x1  }
0x7f: {  	v3 =	vand.u32 $0x7, v3;
	v4 =	vand.u32 $0xFFFFFFF0, v61  }
0x80: {  	v3 =	vor.u32 v3, v4  }
0x81: {  	v4 =	vperm.xlane v3, v0;
	_ =	sdelay $0x1  }
0x82: {  	v3 =	vperm.xlane v3, v2;
	v4 =	vadd.s32 v1, v4;
	_ =	sdelay $0x1  }
0x83: {  	v3 =	vadd.s32 v1, v3;
	_ =	sdelay $0x2  }
0x84: {  	[hbm4b:s2+s3] =	stream.indirect_vreg.scatter [tilespmem:s18], [sflag:$0x2], $0x80, v4, vm0, $0xb8;
	[tilespmem:$0xF100] =	vst v63  }
0x85: {  	_ = 	snop  }
0x86: {  	[hbm4b:s2+s3] =	stream.indirect_vreg.scatter [tilespmem:s19], [sflag:$0x2], $0x80, v3, vm0, $0xb8;
	[tilespmem:$0xF100] =	vst v63  }
0x87: {  	v3 =	vld [tilespmem:$0xB0];
	_ =	sdelay $0x4  }
0x88: {  	v62 =	vshll.u32 v3, $0x1  }
0x89: {  	v3 =	vand.u32 $0x7, v3;
	v4 =	vand.u32 $0xFFFFFFF0, v62  }
0x8a: {  	v3 =	vor.u32 v3, v4  }
0x8b: {  	v4 =	vperm.xlane v3, v0;
	_ =	sdelay $0x1  }
0x8c: {  	v3 =	vperm.xlane v3, v2;
	v4 =	vadd.s32 v1, v4;
	_ =	sdelay $0x1  }
0x8d: {  	v3 =	vadd.s32 v1, v3;
	_ =	sdelay $0x2  }
0x8e: {  	[hbm4b:s2+s3] =	stream.indirect_vreg.scatter [tilespmem:s20], [sflag:$0x2], $0x80, v4, vm0, $0xb8;
	[tilespmem:$0xF100] =	vst v63  }
0x8f: {  	_ = 	snop  }
0x90: {  	[hbm4b:s2+s3] =	stream.indirect_vreg.scatter [tilespmem:s21], [sflag:$0x2], $0x80, v3, vm0, $0xb8;
	[tilespmem:$0xF100] =	vst v63  }
0x91: {  	v3 =	vld [tilespmem:$0xC0];
	_ =	sdelay $0x4  }
0x92: {  	v63 =	vshll.u32 v3, $0x1  }
0x93: {  	v3 =	vand.u32 $0x7, v3;
	v4 =	vand.u32 $0xFFFFFFF0, v63  }
0x94: {  	v3 =	vor.u32 v3, v4  }
0x95: {  	v4 =	vperm.xlane v3, v0;
	_ =	sdelay $0x1  }
0x96: {  	v3 =	vperm.xlane v3, v2;
	v4 =	vadd.s32 v1, v4;
	_ =	sdelay $0x1  }
0x97: {  	v3 =	vadd.s32 v1, v3;
	_ =	sdelay $0x2  }
0x98: {  	[hbm4b:s2+s3] =	stream.indirect_vreg.scatter [tilespmem:s22], [sflag:$0x2], $0x80, v4, vm0, $0xb8;
	[tilespmem:$0xF100] =	vst v63  }
0x99: {  	_ = 	snop  }
0x9a: {  	[hbm4b:s2+s3] =	stream.indirect_vreg.scatter [tilespmem:s23], [sflag:$0x2], $0x80, v3, vm0, $0xb8;
	[tilespmem:$0xF100] =	vst v63  }
0x9b: {  	_ =	swait.ge [sflag:s24], $0x2800  }
0x9c: {  	[sflag:s24] =	ssyncset.done $0x0  }
0x9d: {  	[sflag:s24] =	ssyncadd.s32 $0xFFFFD800  }
0x9e: {  	_ =	swait.ge [sflag:s25], $0x5000  }
0x9f: {  	[sflag:s25] =	ssyncset.done $0x0  }
0xa0: {  	s5 =	sadd.s32 $0xFFFFFFFF, s5;
	[sflag:s25] =	ssyncadd.s32 $0xFFFFB000  }
0xa1: {  	p1 =	sne.s32 s5, $0x0;
	_ =	swait.ge [sflag:s24], $0x2800  }
.Ltmp0:
0xa2: {  	[sflag:s24] =	ssyncset.done $0x0;
	(pc) =	sbr.rel @p1 .LBB2_1-.Ltmp0, $4  }
0xa3: {  	[sflag:s24] =	ssyncadd.s32 $0xFFFFD800  }
0xa4: {  	_ =	swait.ge [sflag:s25], $0x5000  }
0xa5: {  	[sflag:s25] =	ssyncset.done $0x0  }
0xa6: {  	[sflag:s25] =	ssyncadd.s32 $0xFFFFB000  }
0xa7: {  	_ =	sfence.sel $0x180000  }
0xa8: {  	[bflag:$0x0] =	sbarrier.arrive $0xFFFF  }
0xa9: {  	p0 =	sne.s32 s0, $0x0;
	_ =	strace $0x90000047  }
0xaa: {  	s0 =	sadd.s32 @!p0 $0x100000, s1;
	[bflag:$0x2] =	sbarrier.arrive $0xFFFF  }
0xab: {  	[sflag:s0] =	ssyncadd.tile.s32 @!p0 $0x1;
	_ =	shalt  }
.Lfunc_end2:
_tile_overlayer_lowered:
.L_overlay_start_2:
0xac: {  	(tag) =	ssettag $0x2  }
0xad: {  	s0 =	rddreg [dreg:$0x0];
	s2 =	stileid.u32  }
0xae: {  	s1 =	rddreg [dreg:$0x1];
	p0 =	sne.s32 s2, $0x0  }
0xaf: {  	s3 =	rddreg [dreg:$0x2];
	[bflag:$0x3] =	sbarrier.arrive $0xFFFF;
	s2 =	simm.s32 @!p0 $0x1C03  }
0xb0: {  	[timem:s3], [sflag:s2] =	dma.local @!p0 [hbm:s0], s1  }
0xb1: {  	s0 =	simm.s32 @!p0 $0x3  }
0xb2: {  	_ =	swait.ge @!p0 [sflag:s0], s1  }
0xb3: {  	s1 =	ssub.s32 @!p0 $0x0, s1;
	[sflag:s0] =	ssyncset.done @!p0 $0x0  }
0xb4: {  	[sflag:s0] =	ssyncadd.s32 @!p0 s1  }
0xb5: {  	[bflag:$0x3] =	sbarrier.arrive $0xFFFF  }
0xb6: {  	_ =	shalt  }

</sc_bundles>
